<compile_context>
chip_gen: v7x
topology: tpu7x:2x2x1
jax: 0.10.2.dev20260603
libtpu: 0.0.44.dev20260713+nightly
codegen_flags: <defaults>
</compile_context>

<pallas_src>
import functools

import jax
import jax.numpy as jnp
from jax import lax
from jax.experimental import pallas as pl
from jax.experimental.pallas import tpu as pltpu
from jax.experimental.pallas import tpu_sc as plsc

IN_CH = 128
OUT_CH = 128
N_NODES = 10000
N_EDGES = 320000

CHUNK = 128
N_CHUNKS = N_EDGES // CHUNK
NC = 2
NS = 16
NW = NC * NS
CH_PER_W = 80
PAD_CHUNKS = CH_PER_W * NW
NBUF = 5
DA = 2
DW = 4

NODE_BLK = 2000


def _tables_body(x_ref, w1_ref, eps_ref, a_ref, b_ref):
    xw = jnp.dot(x_ref[...], w1_ref[...], preferred_element_type=jnp.float32)
    b_ref[...] = xw
    a_ref[...] = (1.0 + eps_ref[0]) * xw


def _make_tables(x, W1, eps):
    grid = (N_NODES // NODE_BLK,)
    return pl.pallas_call(
        _tables_body,
        grid=grid,
        in_specs=[
            pl.BlockSpec((NODE_BLK, IN_CH), lambda i: (i, 0)),
            pl.BlockSpec((IN_CH, OUT_CH), lambda i: (0, 0)),
            pl.BlockSpec(memory_space=pltpu.SMEM),
        ],
        out_specs=[
            pl.BlockSpec((NODE_BLK, OUT_CH), lambda i: (i, 0)),
            pl.BlockSpec((NODE_BLK, OUT_CH), lambda i: (i, 0)),
        ],
        out_shape=[
            jax.ShapeDtypeStruct((N_NODES, OUT_CH), jnp.float32),
            jax.ShapeDtypeStruct((N_NODES, OUT_CH), jnp.float32),
        ],
    )(x, W1, eps)




def _sc_gather_body(a_hbm, b_hbm, row_hbm, col_hbm, g_hbm,
                    idx_r, idx_c, rows0, rows1, rows2, rows3, rows4,
                    sa0, sa1, sa2, sa3, sa4, sb0, sb1, sb2, sb3, sb4):
    wid = lax.axis_index("s") * NC + lax.axis_index("c")
    base_chunk = wid * CH_PER_W
    rows = (rows0, rows1, rows2, rows3, rows4)
    sem_a = (sa0, sa1, sa2, sa3, sa4)
    sem_b = (sb0, sb1, sb2, sb3, sb4)

    pltpu.sync_copy(row_hbm.at[pl.ds(base_chunk, CH_PER_W)], idx_r)
    pltpu.sync_copy(col_hbm.at[pl.ds(base_chunk, CH_PER_W)], idx_c)

    def valid(k):
        return (k >= 0) & (k < CH_PER_W) & (base_chunk + k < N_CHUNKS)

    @pl.loop(0, CH_PER_W + NBUF, step=NBUF)
    def _(k0):
        for b in range(NBUF):
            k = k0 + b

            @pl.when(valid(k))
            def _():
                pltpu.async_copy(a_hbm.at[idx_r.at[k]], rows[b], sem_a[b])

            ba = (b - DA) % NBUF
            ka = k - DA

            @pl.when(valid(ka))
            def _():
                pltpu.make_async_copy(
                    a_hbm.at[idx_r.at[ka]], rows[ba], sem_a[ba]
                ).wait()
                pltpu.async_copy(
                    b_hbm.at[idx_c.at[ka]], rows[ba], sem_b[ba],
                    add=True,
                )

            bw = (b - DW) % NBUF
            kw = k - DW

            @pl.when(valid(kw))
            def _():
                pltpu.make_async_copy(
                    b_hbm.at[idx_c.at[kw]], rows[bw], sem_b[bw]
                ).wait()
                pltpu.sync_copy(
                    rows[bw],
                    g_hbm.at[pl.ds((base_chunk + kw) * CHUNK, CHUNK)],
                )


@functools.cache
def _make_sc_gather():
    mesh = plsc.VectorSubcoreMesh(core_axis_name="c", subcore_axis_name="s")
    return pl.kernel(
        _sc_gather_body,
        out_type=jax.ShapeDtypeStruct((N_EDGES, OUT_CH), jnp.float32),
        mesh=mesh,
        scratch_types=[
            pltpu.VMEM((CH_PER_W, CHUNK), jnp.int32),
            pltpu.VMEM((CH_PER_W, CHUNK), jnp.int32),
            pltpu.VMEM((CHUNK, OUT_CH), jnp.float32),
            pltpu.VMEM((CHUNK, OUT_CH), jnp.float32),
            pltpu.VMEM((CHUNK, OUT_CH), jnp.float32),
            pltpu.VMEM((CHUNK, OUT_CH), jnp.float32),
            pltpu.VMEM((CHUNK, OUT_CH), jnp.float32),
            pltpu.SemaphoreType.DMA,
            pltpu.SemaphoreType.DMA,
            pltpu.SemaphoreType.DMA,
            pltpu.SemaphoreType.DMA,
            pltpu.SemaphoreType.DMA,
            pltpu.SemaphoreType.DMA,
            pltpu.SemaphoreType.DMA,
            pltpu.SemaphoreType.DMA,
            pltpu.SemaphoreType.DMA,
            pltpu.SemaphoreType.DMA,
        ],
    )


EDGE_BLK = 8000


def _mlp_body(g_ref, b1_ref, w2_ref, b2_ref, out_ref):
    h = jnp.maximum(g_ref[...] + b1_ref[...], 0.0)
    out_ref[...] = (
        jnp.dot(h, w2_ref[...], preferred_element_type=jnp.float32)
        + b2_ref[...]
    )


def _mlp(g, b1, W2, b2):
    grid = (N_EDGES // EDGE_BLK,)
    return pl.pallas_call(
        _mlp_body,
        grid=grid,
        in_specs=[
            pl.BlockSpec((EDGE_BLK, OUT_CH), lambda i: (i, 0)),
            pl.BlockSpec((1, OUT_CH), lambda i: (0, 0)),
            pl.BlockSpec((OUT_CH, OUT_CH), lambda i: (0, 0)),
            pl.BlockSpec((1, OUT_CH), lambda i: (0, 0)),
        ],
        out_specs=pl.BlockSpec((EDGE_BLK, OUT_CH), lambda i: (i, 0)),
        out_shape=jax.ShapeDtypeStruct((N_EDGES, OUT_CH), jnp.float32),
    )(g, b1.reshape(1, OUT_CH), W2, b2.reshape(1, OUT_CH))


def kernel(x, edge_index, W1, b1, W2, b2, eps):
    idx2d = edge_index.astype(jnp.int32).reshape(2, N_CHUNKS, CHUNK)
    pad = ((0, 0), (0, PAD_CHUNKS - N_CHUNKS), (0, 0))
    idx2d = jnp.pad(idx2d, pad)
    a_tab, b_tab = _make_tables(x, W1, eps)
    g = _make_sc_gather()(a_tab, b_tab, idx2d[0], idx2d[1])
    return _mlp(g, b1, W2, b2)

# --- scband reference (transcript-rebuilt; emitter-appended) ---
"""Pipeline reference for scband-ginconv-4629974745742 (READ-ONLY COPY).

The authoritative reference and input builder live on the scoring server;
editing this copy changes nothing except your own understanding.
"""

import jax, jax.numpy as jnp
import numpy as np

IN_CH = 128
OUT_CH = 128
N_NODES = 10000
N_EDGES = 320000

def setup_inputs(seed: int = 0) -> dict:
    key = jax.random.key(seed)
    k_x, k_e, k_w1, k_b1, k_w2, k_b2 = jax.random.split(key, 6)
    x = jax.random.normal(k_x, (N_NODES, IN_CH), dtype=jnp.float32)
    edge_index = jax.random.randint(k_e, (2, N_EDGES), 0, N_NODES, dtype=jnp.int64)
    # Linear layers: PyTorch nn.Linear(in, out) -> weight [out, in]; here store as [in, out] for x @ W
    W1 = jax.random.normal(k_w1, (IN_CH, OUT_CH), dtype=jnp.float32) * (1.0 / np.sqrt(IN_CH))
    b1 = jax.random.normal(k_b1, (OUT_CH,), dtype=jnp.float32) * 0.01
    W2 = jax.random.normal(k_w2, (OUT_CH, OUT_CH), dtype=jnp.float32) * (1.0 / np.sqrt(OUT_CH))
    b2 = jax.random.normal(k_b2, (OUT_CH,), dtype=jnp.float32) * 0.01
    eps = jnp.zeros((1,), dtype=jnp.float32)
    return {"x": x, "edge_index": edge_index, "W1": W1, "b1": b1, "W2": W2, "b2": b2, "eps": eps}

def reference(x, edge_index, W1, b1, W2, b2, eps):
    row = edge_index[0]
    col = edge_index[1]
    x_i = jnp.take(x, row, axis=0)  # gather [E, d]
    x_j = jnp.take(x, col, axis=0)  # gather [E, d]
    h = (1.0 + eps) * x_i + x_j
    h = jax.nn.relu(h @ W1 + b1)
    out = h @ W2 + b2
    return out

if __name__ == "__main__":
    import jax
    _d = setup_inputs()
    print(jax.jit(kernel)(*tuple(_d.values())))

</pallas_src>

<mosaic_0001>
#map = affine_map<(d0, d1) -> (0, 0)>
module attributes {stable_mosaic.version = 14 : i64} {
  func.func @_sc_gather_body(%arg0: i32, %arg1: i32, %arg2: memref<10000x128xf32, #tpu.memory_space<hbm>>, %arg3: memref<10000x128xf32, #tpu.memory_space<hbm>>, %arg4: memref<2560x128xi32, #tpu.memory_space<hbm>>, %arg5: memref<2560x128xi32, #tpu.memory_space<hbm>>, %arg6: memref<320000x128xf32, #tpu.memory_space<hbm>>, %arg7: memref<80x128xi32, #tpu.memory_space<vmem>>, %arg8: memref<80x128xi32, #tpu.memory_space<vmem>>, %arg9: memref<128x128xf32, #tpu.memory_space<vmem>>, %arg10: memref<128x128xf32, #tpu.memory_space<vmem>>, %arg11: memref<128x128xf32, #tpu.memory_space<vmem>>, %arg12: memref<128x128xf32, #tpu.memory_space<vmem>>, %arg13: memref<128x128xf32, #tpu.memory_space<vmem>>, %arg14: memref<!tpu.dma_semaphore, #tpu.memory_space<semaphore_mem>>, %arg15: memref<!tpu.dma_semaphore, #tpu.memory_space<semaphore_mem>>, %arg16: memref<!tpu.dma_semaphore, #tpu.memory_space<semaphore_mem>>, %arg17: memref<!tpu.dma_semaphore, #tpu.memory_space<semaphore_mem>>, %arg18: memref<!tpu.dma_semaphore, #tpu.memory_space<semaphore_mem>>, %arg19: memref<!tpu.dma_semaphore, #tpu.memory_space<semaphore_mem>>, %arg20: memref<!tpu.dma_semaphore, #tpu.memory_space<semaphore_mem>>, %arg21: memref<!tpu.dma_semaphore, #tpu.memory_space<semaphore_mem>>, %arg22: memref<!tpu.dma_semaphore, #tpu.memory_space<semaphore_mem>>, %arg23: memref<!tpu.dma_semaphore, #tpu.memory_space<semaphore_mem>>) attributes {dimension_semantics = [#tpu.dimension_semantics<core_parallel>, #tpu.dimension_semantics<subcore_parallel>], iteration_bounds = array<i64: 2, 16>, scalar_prefetch = 0 : i64, scratch_operands = 17 : i64, tpu.core_type = #tpu.core_type<sc_vector_subcore>, window_params = [{transform_indices = #map}, {transform_indices = #map}, {transform_indices = #map}, {transform_indices = #map}, {transform_indices = #map}]} {
    %mul3A = arith.constant 2 : i32
    %mul3A_0 = arith.muli %arg1, %mul3A : i32
    %add3A = arith.addi %mul3A_0, %arg0 : i32
    %mul3A_1 = arith.constant 80 : i32
    %mul3A_2 = arith.muli %add3A, %mul3A_1 : i32
    "tpu.region"() ({
      %run_scoped3A = tpu.sem_alloc : memref<!tpu.dma_semaphore, #tpu.memory_space<semaphore_mem>>
      %dma_start3A = arith.constant 0 : i32
      %dma_start3A_7 = tpu.memref_slice %arg4[%mul3A_2, %dma_start3A] : memref<2560x128xi32, #tpu.memory_space<hbm>> -> memref<80x128xi32, #tpu.memory_space<hbm>>
      %dma_start3A_8 = arith.constant 0 : i32
      %dma_start3A_9 = tpu.memref_slice %arg4[%mul3A_2, %dma_start3A_8] : memref<2560x128xi32, #tpu.memory_space<hbm>> -> memref<80x128xi32, #tpu.memory_space<hbm>>
      tpu.enqueue_dma source(%dma_start3A_9 : memref<80x128xi32, #tpu.memory_space<hbm>>) target(%arg7 : memref<80x128xi32, #tpu.memory_space<vmem>>) target_semaphore(%run_scoped3A : memref<!tpu.dma_semaphore, #tpu.memory_space<semaphore_mem>>)
      %dma_wait3A = arith.constant 0 : i32
      %dma_wait3A_10 = tpu.memref_slice %arg4[%mul3A_2, %dma_wait3A] : memref<2560x128xi32, #tpu.memory_space<hbm>> -> memref<80x128xi32, #tpu.memory_space<hbm>>
      %dma_wait3A_11 = arith.constant 0 : i32
      %dma_wait3A_12 = tpu.memref_slice %arg4[%mul3A_2, %dma_wait3A_11] : memref<2560x128xi32, #tpu.memory_space<hbm>> -> memref<80x128xi32, #tpu.memory_space<hbm>>
      tpu.wait_dma2 semaphore(%run_scoped3A : memref<!tpu.dma_semaphore, #tpu.memory_space<semaphore_mem>>) src(%dma_wait3A_12 : memref<80x128xi32, #tpu.memory_space<hbm>>) dst(%arg7 : memref<80x128xi32, #tpu.memory_space<vmem>>)
      tpu.yield
    }) : () -> ()
    "tpu.region"() ({
      %run_scoped3A = tpu.sem_alloc : memref<!tpu.dma_semaphore, #tpu.memory_space<semaphore_mem>>
      %dma_start3A = arith.constant 0 : i32
      %dma_start3A_7 = tpu.memref_slice %arg5[%mul3A_2, %dma_start3A] : memref<2560x128xi32, #tpu.memory_space<hbm>> -> memref<80x128xi32, #tpu.memory_space<hbm>>
      %dma_start3A_8 = arith.constant 0 : i32
      %dma_start3A_9 = tpu.memref_slice %arg5[%mul3A_2, %dma_start3A_8] : memref<2560x128xi32, #tpu.memory_space<hbm>> -> memref<80x128xi32, #tpu.memory_space<hbm>>
      tpu.enqueue_dma source(%dma_start3A_9 : memref<80x128xi32, #tpu.memory_space<hbm>>) target(%arg8 : memref<80x128xi32, #tpu.memory_space<vmem>>) target_semaphore(%run_scoped3A : memref<!tpu.dma_semaphore, #tpu.memory_space<semaphore_mem>>)
      %dma_wait3A = arith.constant 0 : i32
      %dma_wait3A_10 = tpu.memref_slice %arg5[%mul3A_2, %dma_wait3A] : memref<2560x128xi32, #tpu.memory_space<hbm>> -> memref<80x128xi32, #tpu.memory_space<hbm>>
      %dma_wait3A_11 = arith.constant 0 : i32
      %dma_wait3A_12 = tpu.memref_slice %arg5[%mul3A_2, %dma_wait3A_11] : memref<2560x128xi32, #tpu.memory_space<hbm>> -> memref<80x128xi32, #tpu.memory_space<hbm>>
      tpu.wait_dma2 semaphore(%run_scoped3A : memref<!tpu.dma_semaphore, #tpu.memory_space<semaphore_mem>>) src(%dma_wait3A_12 : memref<80x128xi32, #tpu.memory_space<hbm>>) dst(%arg8 : memref<80x128xi32, #tpu.memory_space<vmem>>)
      tpu.yield
    }) : () -> ()
    %scan3A = arith.constant 0 : i32
    %scan3A_3 = arith.constant 17 : i32
    %scan3A_4 = arith.addi %scan3A, %scan3A_3 : i32
    %scan3A_5 = arith.constant 1 : i32
    scf.for %scan3A_7 = %scan3A to %scan3A_4 step %scan3A_5  : i32 {
      %mul3A_8 = arith.constant 5 : i32
      %mul3A_9 = arith.muli %scan3A_7, %mul3A_8 : i32
      %add3A_10 = arith.constant 0 : i32
      %add3A_11 = arith.addi %add3A_10, %mul3A_9 : i32
      %add3A_12 = arith.constant 0 : i32
      %add3A_13 = arith.addi %add3A_11, %add3A_12 : i32
      %ge3A = arith.constant 0 : i32
      %ge3A_14 = arith.cmpi sge, %add3A_13, %ge3A : i32
      %lt3A = arith.constant 80 : i32
      %lt3A_15 = arith.cmpi slt, %add3A_13, %lt3A : i32
      %and3A = arith.andi %ge3A_14, %lt3A_15 : i1
      %add3A_16 = arith.addi %mul3A_2, %add3A_13 : i32
      %lt3A_17 = arith.constant 2500 : i32
      %lt3A_18 = arith.cmpi slt, %add3A_16, %lt3A_17 : i32
      %and3A_19 = arith.andi %and3A, %lt3A_18 : i1
      %convert_element_type3A = arith.extui %and3A_19 : i1 to i32
      %cond3A = arith.constant 0 : i32
      %cond3A_20 = arith.cmpi ne, %convert_element_type3A, %cond3A : i32
      scf.if %cond3A_20 {
        %dma_start3A = arith.constant 0 : i32
        %dma_start3A_216 = tpu.memref_slice %arg7[%add3A_13, %dma_start3A] : memref<80x128xi32, #tpu.memory_space<vmem>> -> memref<1x128xi32, #tpu.memory_space<vmem>>
        %dma_start3A_217 = tpu.memref_squeeze %dma_start3A_216 : memref<1x128xi32, #tpu.memory_space<vmem>> -> memref<128xi32, #tpu.memory_space<vmem>>
        %dma_start3A_218 = arith.constant 0 : i32
        %dma_start3A_219 = arith.constant 0 : i32
        %dma_start3A_220 = tpu.memref_slice %arg2[%dma_start3A_218, %dma_start3A_219] : memref<10000x128xf32, #tpu.memory_space<hbm>> -> memref<10000x128xf32, #tpu.memory_space<hbm>>
        tpu.enqueue_indirect_dma source(%dma_start3A_220 : memref<10000x128xf32, #tpu.memory_space<hbm>>) target(%arg9 : memref<128x128xf32, #tpu.memory_space<vmem>>) offsets(%dma_start3A_217 : memref<128xi32, #tpu.memory_space<vmem>>) semaphore(%arg14 : memref<!tpu.dma_semaphore, #tpu.memory_space<semaphore_mem>>)
      } else {
      }
      %sub3A = arith.constant 2 : i32
      %sub3A_21 = arith.subi %add3A_13, %sub3A : i32
      %ge3A_22 = arith.constant 0 : i32
      %ge3A_23 = arith.cmpi sge, %sub3A_21, %ge3A_22 : i32
      %lt3A_24 = arith.constant 80 : i32
      %lt3A_25 = arith.cmpi slt, %sub3A_21, %lt3A_24 : i32
      %and3A_26 = arith.andi %ge3A_23, %lt3A_25 : i1
      %add3A_27 = arith.addi %mul3A_2, %sub3A_21 : i32
      %lt3A_28 = arith.constant 2500 : i32
      %lt3A_29 = arith.cmpi slt, %add3A_27, %lt3A_28 : i32
      %and3A_30 = arith.andi %and3A_26, %lt3A_29 : i1
      %convert_element_type3A_31 = arith.extui %and3A_30 : i1 to i32
      %cond3A_32 = arith.constant 0 : i32
      %cond3A_33 = arith.cmpi ne, %convert_element_type3A_31, %cond3A_32 : i32
      scf.if %cond3A_33 {
        %dma_wait3A = arith.constant 0 : i32
        %dma_wait3A_216 = tpu.memref_slice %arg7[%sub3A_21, %dma_wait3A] : memref<80x128xi32, #tpu.memory_space<vmem>> -> memref<1x128xi32, #tpu.memory_space<vmem>>
        %dma_wait3A_217 = tpu.memref_squeeze %dma_wait3A_216 : memref<1x128xi32, #tpu.memory_space<vmem>> -> memref<128xi32, #tpu.memory_space<vmem>>
        %dma_wait3A_218 = arith.constant 0 : i32
        %dma_wait3A_219 = arith.constant 0 : i32
        %dma_wait3A_220 = tpu.memref_slice %arg2[%dma_wait3A_218, %dma_wait3A_219] : memref<10000x128xf32, #tpu.memory_space<hbm>> -> memref<10000x128xf32, #tpu.memory_space<hbm>>
        tpu.wait_indirect_dma semaphore(%arg17 : memref<!tpu.dma_semaphore, #tpu.memory_space<semaphore_mem>>) src(%dma_wait3A_220 : memref<10000x128xf32, #tpu.memory_space<hbm>>) dst(%arg12 : memref<128x128xf32, #tpu.memory_space<vmem>>)
        %dma_start3A = arith.constant 0 : i32
        %dma_start3A_221 = tpu.memref_slice %arg8[%sub3A_21, %dma_start3A] : memref<80x128xi32, #tpu.memory_space<vmem>> -> memref<1x128xi32, #tpu.memory_space<vmem>>
        %dma_start3A_222 = tpu.memref_squeeze %dma_start3A_221 : memref<1x128xi32, #tpu.memory_space<vmem>> -> memref<128xi32, #tpu.memory_space<vmem>>
        %dma_start3A_223 = arith.constant 0 : i32
        %dma_start3A_224 = arith.constant 0 : i32
        %dma_start3A_225 = tpu.memref_slice %arg3[%dma_start3A_223, %dma_start3A_224] : memref<10000x128xf32, #tpu.memory_space<hbm>> -> memref<10000x128xf32, #tpu.memory_space<hbm>>
        tpu.enqueue_indirect_dma source(%dma_start3A_225 : memref<10000x128xf32, #tpu.memory_space<hbm>>) target(%arg12 : memref<128x128xf32, #tpu.memory_space<vmem>>) offsets(%dma_start3A_222 : memref<128xi32, #tpu.memory_space<vmem>>) semaphore(%arg22 : memref<!tpu.dma_semaphore, #tpu.memory_space<semaphore_mem>>) {add = true}
      } else {
      }
      %sub3A_34 = arith.constant 4 : i32
      %sub3A_35 = arith.subi %add3A_13, %sub3A_34 : i32
      %ge3A_36 = arith.constant 0 : i32
      %ge3A_37 = arith.cmpi sge, %sub3A_35, %ge3A_36 : i32
      %lt3A_38 = arith.constant 80 : i32
      %lt3A_39 = arith.cmpi slt, %sub3A_35, %lt3A_38 : i32
      %and3A_40 = arith.andi %ge3A_37, %lt3A_39 : i1
      %add3A_41 = arith.addi %mul3A_2, %sub3A_35 : i32
      %lt3A_42 = arith.constant 2500 : i32
      %lt3A_43 = arith.cmpi slt, %add3A_41, %lt3A_42 : i32
      %and3A_44 = arith.andi %and3A_40, %lt3A_43 : i1
      %convert_element_type3A_45 = arith.extui %and3A_44 : i1 to i32
      %cond3A_46 = arith.constant 0 : i32
      %cond3A_47 = arith.cmpi ne, %convert_element_type3A_45, %cond3A_46 : i32
      scf.if %cond3A_47 {
        %dma_wait3A = arith.constant 0 : i32
        %dma_wait3A_216 = tpu.memref_slice %arg8[%sub3A_35, %dma_wait3A] : memref<80x128xi32, #tpu.memory_space<vmem>> -> memref<1x128xi32, #tpu.memory_space<vmem>>
        %dma_wait3A_217 = tpu.memref_squeeze %dma_wait3A_216 : memref<1x128xi32, #tpu.memory_space<vmem>> -> memref<128xi32, #tpu.memory_space<vmem>>
        %dma_wait3A_218 = arith.constant 0 : i32
        %dma_wait3A_219 = arith.constant 0 : i32
        %dma_wait3A_220 = tpu.memref_slice %arg3[%dma_wait3A_218, %dma_wait3A_219] : memref<10000x128xf32, #tpu.memory_space<hbm>> -> memref<10000x128xf32, #tpu.memory_space<hbm>>
        tpu.wait_indirect_dma semaphore(%arg20 : memref<!tpu.dma_semaphore, #tpu.memory_space<semaphore_mem>>) src(%dma_wait3A_220 : memref<10000x128xf32, #tpu.memory_space<hbm>>) dst(%arg10 : memref<128x128xf32, #tpu.memory_space<vmem>>)
        %add3A_221 = arith.addi %mul3A_2, %sub3A_35 : i32
        %mul3A_222 = arith.constant 128 : i32
        %mul3A_223 = arith.muli %add3A_221, %mul3A_222 : i32
        "tpu.region"() ({
          %run_scoped3A = tpu.sem_alloc : memref<!tpu.dma_semaphore, #tpu.memory_space<semaphore_mem>>
          %dma_start3A = arith.constant 0 : i32
          %dma_start3A_224 = tpu.memref_slice %arg6[%mul3A_223, %dma_start3A] : memref<320000x128xf32, #tpu.memory_space<hbm>> -> memref<128x128xf32, #tpu.memory_space<hbm>>
          %dma_start3A_225 = arith.constant 0 : i32
          %dma_start3A_226 = tpu.memref_slice %arg6[%mul3A_223, %dma_start3A_225] : memref<320000x128xf32, #tpu.memory_space<hbm>> -> memref<128x128xf32, #tpu.memory_space<hbm>>
          tpu.enqueue_dma source(%arg10 : memref<128x128xf32, #tpu.memory_space<vmem>>) target(%dma_start3A_226 : memref<128x128xf32, #tpu.memory_space<hbm>>) target_semaphore(%run_scoped3A : memref<!tpu.dma_semaphore, #tpu.memory_space<semaphore_mem>>)
          %dma_wait3A_227 = arith.constant 0 : i32
          %dma_wait3A_228 = tpu.memref_slice %arg6[%mul3A_223, %dma_wait3A_227] : memref<320000x128xf32, #tpu.memory_space<hbm>> -> memref<128x128xf32, #tpu.memory_space<hbm>>
          %dma_wait3A_229 = arith.constant 0 : i32
          %dma_wait3A_230 = tpu.memref_slice %arg6[%mul3A_223, %dma_wait3A_229] : memref<320000x128xf32, #tpu.memory_space<hbm>> -> memref<128x128xf32, #tpu.memory_space<hbm>>
          tpu.wait_dma2 semaphore(%run_scoped3A : memref<!tpu.dma_semaphore, #tpu.memory_space<semaphore_mem>>) src(%arg10 : memref<128x128xf32, #tpu.memory_space<vmem>>) dst(%dma_wait3A_230 : memref<128x128xf32, #tpu.memory_space<hbm>>)
          tpu.yield
        }) : () -> ()
      } else {
      }
      %add3A_48 = arith.constant 1 : i32
      %add3A_49 = arith.addi %add3A_11, %add3A_48 : i32
      %ge3A_50 = arith.constant 0 : i32
      %ge3A_51 = arith.cmpi sge, %add3A_49, %ge3A_50 : i32
      %lt3A_52 = arith.constant 80 : i32
      %lt3A_53 = arith.cmpi slt, %add3A_49, %lt3A_52 : i32
      %and3A_54 = arith.andi %ge3A_51, %lt3A_53 : i1
      %add3A_55 = arith.addi %mul3A_2, %add3A_49 : i32
      %lt3A_56 = arith.constant 2500 : i32
      %lt3A_57 = arith.cmpi slt, %add3A_55, %lt3A_56 : i32
      %and3A_58 = arith.andi %and3A_54, %lt3A_57 : i1
      %convert_element_type3A_59 = arith.extui %and3A_58 : i1 to i32
      %cond3A_60 = arith.constant 0 : i32
      %cond3A_61 = arith.cmpi ne, %convert_element_type3A_59, %cond3A_60 : i32
      scf.if %cond3A_61 {
        %dma_start3A = arith.constant 0 : i32
        %dma_start3A_216 = tpu.memref_slice %arg7[%add3A_49, %dma_start3A] : memref<80x128xi32, #tpu.memory_space<vmem>> -> memref<1x128xi32, #tpu.memory_space<vmem>>
        %dma_start3A_217 = tpu.memref_squeeze %dma_start3A_216 : memref<1x128xi32, #tpu.memory_space<vmem>> -> memref<128xi32, #tpu.memory_space<vmem>>
        %dma_start3A_218 = arith.constant 0 : i32
        %dma_start3A_219 = arith.constant 0 : i32
        %dma_start3A_220 = tpu.memref_slice %arg2[%dma_start3A_218, %dma_start3A_219] : memref<10000x128xf32, #tpu.memory_space<hbm>> -> memref<10000x128xf32, #tpu.memory_space<hbm>>
        tpu.enqueue_indirect_dma source(%dma_start3A_220 : memref<10000x128xf32, #tpu.memory_space<hbm>>) target(%arg10 : memref<128x128xf32, #tpu.memory_space<vmem>>) offsets(%dma_start3A_217 : memref<128xi32, #tpu.memory_space<vmem>>) semaphore(%arg15 : memref<!tpu.dma_semaphore, #tpu.memory_space<semaphore_mem>>)
      } else {
      }
      %sub3A_62 = arith.constant 2 : i32
      %sub3A_63 = arith.subi %add3A_49, %sub3A_62 : i32
      %ge3A_64 = arith.constant 0 : i32
      %ge3A_65 = arith.cmpi sge, %sub3A_63, %ge3A_64 : i32
      %lt3A_66 = arith.constant 80 : i32
      %lt3A_67 = arith.cmpi slt, %sub3A_63, %lt3A_66 : i32
      %and3A_68 = arith.andi %ge3A_65, %lt3A_67 : i1
      %add3A_69 = arith.addi %mul3A_2, %sub3A_63 : i32
      %lt3A_70 = arith.constant 2500 : i32
      %lt3A_71 = arith.cmpi slt, %add3A_69, %lt3A_70 : i32
      %and3A_72 = arith.andi %and3A_68, %lt3A_71 : i1
      %convert_element_type3A_73 = arith.extui %and3A_72 : i1 to i32
      %cond3A_74 = arith.constant 0 : i32
      %cond3A_75 = arith.cmpi ne, %convert_element_type3A_73, %cond3A_74 : i32
      scf.if %cond3A_75 {
        %dma_wait3A = arith.constant 0 : i32
        %dma_wait3A_216 = tpu.memref_slice %arg7[%sub3A_63, %dma_wait3A] : memref<80x128xi32, #tpu.memory_space<vmem>> -> memref<1x128xi32, #tpu.memory_space<vmem>>
        %dma_wait3A_217 = tpu.memref_squeeze %dma_wait3A_216 : memref<1x128xi32, #tpu.memory_space<vmem>> -> memref<128xi32, #tpu.memory_space<vmem>>
        %dma_wait3A_218 = arith.constant 0 : i32
        %dma_wait3A_219 = arith.constant 0 : i32
        %dma_wait3A_220 = tpu.memref_slice %arg2[%dma_wait3A_218, %dma_wait3A_219] : memref<10000x128xf32, #tpu.memory_space<hbm>> -> memref<10000x128xf32, #tpu.memory_space<hbm>>
        tpu.wait_indirect_dma semaphore(%arg18 : memref<!tpu.dma_semaphore, #tpu.memory_space<semaphore_mem>>) src(%dma_wait3A_220 : memref<10000x128xf32, #tpu.memory_space<hbm>>) dst(%arg13 : memref<128x128xf32, #tpu.memory_space<vmem>>)
        %dma_start3A = arith.constant 0 : i32
        %dma_start3A_221 = tpu.memref_slice %arg8[%sub3A_63, %dma_start3A] : memref<80x128xi32, #tpu.memory_space<vmem>> -> memref<1x128xi32, #tpu.memory_space<vmem>>
        %dma_start3A_222 = tpu.memref_squeeze %dma_start3A_221 : memref<1x128xi32, #tpu.memory_space<vmem>> -> memref<128xi32, #tpu.memory_space<vmem>>
        %dma_start3A_223 = arith.constant 0 : i32
        %dma_start3A_224 = arith.constant 0 : i32
        %dma_start3A_225 = tpu.memref_slice %arg3[%dma_start3A_223, %dma_start3A_224] : memref<10000x128xf32, #tpu.memory_space<hbm>> -> memref<10000x128xf32, #tpu.memory_space<hbm>>
        tpu.enqueue_indirect_dma source(%dma_start3A_225 : memref<10000x128xf32, #tpu.memory_space<hbm>>) target(%arg13 : memref<128x128xf32, #tpu.memory_space<vmem>>) offsets(%dma_start3A_222 : memref<128xi32, #tpu.memory_space<vmem>>) semaphore(%arg23 : memref<!tpu.dma_semaphore, #tpu.memory_space<semaphore_mem>>) {add = true}
      } else {
      }
      %sub3A_76 = arith.constant 4 : i32
      %sub3A_77 = arith.subi %add3A_49, %sub3A_76 : i32
      %ge3A_78 = arith.constant 0 : i32
      %ge3A_79 = arith.cmpi sge, %sub3A_77, %ge3A_78 : i32
      %lt3A_80 = arith.constant 80 : i32
      %lt3A_81 = arith.cmpi slt, %sub3A_77, %lt3A_80 : i32
      %and3A_82 = arith.andi %ge3A_79, %lt3A_81 : i1
      %add3A_83 = arith.addi %mul3A_2, %sub3A_77 : i32
      %lt3A_84 = arith.constant 2500 : i32
      %lt3A_85 = arith.cmpi slt, %add3A_83, %lt3A_84 : i32
      %and3A_86 = arith.andi %and3A_82, %lt3A_85 : i1
      %convert_element_type3A_87 = arith.extui %and3A_86 : i1 to i32
      %cond3A_88 = arith.constant 0 : i32
      %cond3A_89 = arith.cmpi ne, %convert_element_type3A_87, %cond3A_88 : i32
      scf.if %cond3A_89 {
        %dma_wait3A = arith.constant 0 : i32
        %dma_wait3A_216 = tpu.memref_slice %arg8[%sub3A_77, %dma_wait3A] : memref<80x128xi32, #tpu.memory_space<vmem>> -> memref<1x128xi32, #tpu.memory_space<vmem>>
        %dma_wait3A_217 = tpu.memref_squeeze %dma_wait3A_216 : memref<1x128xi32, #tpu.memory_space<vmem>> -> memref<128xi32, #tpu.memory_space<vmem>>
        %dma_wait3A_218 = arith.constant 0 : i32
        %dma_wait3A_219 = arith.constant 0 : i32
        %dma_wait3A_220 = tpu.memref_slice %arg3[%dma_wait3A_218, %dma_wait3A_219] : memref<10000x128xf32, #tpu.memory_space<hbm>> -> memref<10000x128xf32, #tpu.memory_space<hbm>>
        tpu.wait_indirect_dma semaphore(%arg21 : memref<!tpu.dma_semaphore, #tpu.memory_space<semaphore_mem>>) src(%dma_wait3A_220 : memref<10000x128xf32, #tpu.memory_space<hbm>>) dst(%arg11 : memref<128x128xf32, #tpu.memory_space<vmem>>)
        %add3A_221 = arith.addi %mul3A_2, %sub3A_77 : i32
        %mul3A_222 = arith.constant 128 : i32
        %mul3A_223 = arith.muli %add3A_221, %mul3A_222 : i32
        "tpu.region"() ({
          %run_scoped3A = tpu.sem_alloc : memref<!tpu.dma_semaphore, #tpu.memory_space<semaphore_mem>>
          %dma_start3A = arith.constant 0 : i32
          %dma_start3A_224 = tpu.memref_slice %arg6[%mul3A_223, %dma_start3A] : memref<320000x128xf32, #tpu.memory_space<hbm>> -> memref<128x128xf32, #tpu.memory_space<hbm>>
          %dma_start3A_225 = arith.constant 0 : i32
          %dma_start3A_226 = tpu.memref_slice %arg6[%mul3A_223, %dma_start3A_225] : memref<320000x128xf32, #tpu.memory_space<hbm>> -> memref<128x128xf32, #tpu.memory_space<hbm>>
          tpu.enqueue_dma source(%arg11 : memref<128x128xf32, #tpu.memory_space<vmem>>) target(%dma_start3A_226 : memref<128x128xf32, #tpu.memory_space<hbm>>) target_semaphore(%run_scoped3A : memref<!tpu.dma_semaphore, #tpu.memory_space<semaphore_mem>>)
          %dma_wait3A_227 = arith.constant 0 : i32
          %dma_wait3A_228 = tpu.memref_slice %arg6[%mul3A_223, %dma_wait3A_227] : memref<320000x128xf32, #tpu.memory_space<hbm>> -> memref<128x128xf32, #tpu.memory_space<hbm>>
          %dma_wait3A_229 = arith.constant 0 : i32
          %dma_wait3A_230 = tpu.memref_slice %arg6[%mul3A_223, %dma_wait3A_229] : memref<320000x128xf32, #tpu.memory_space<hbm>> -> memref<128x128xf32, #tpu.memory_space<hbm>>
          tpu.wait_dma2 semaphore(%run_scoped3A : memref<!tpu.dma_semaphore, #tpu.memory_space<semaphore_mem>>) src(%arg11 : memref<128x128xf32, #tpu.memory_space<vmem>>) dst(%dma_wait3A_230 : memref<128x128xf32, #tpu.memory_space<hbm>>)
          tpu.yield
        }) : () -> ()
      } else {
      }
      %add3A_90 = arith.constant 2 : i32
      %add3A_91 = arith.addi %add3A_11, %add3A_90 : i32
      %ge3A_92 = arith.constant 0 : i32
      %ge3A_93 = arith.cmpi sge, %add3A_91, %ge3A_92 : i32
      %lt3A_94 = arith.constant 80 : i32
      %lt3A_95 = arith.cmpi slt, %add3A_91, %lt3A_94 : i32
      %and3A_96 = arith.andi %ge3A_93, %lt3A_95 : i1
      %add3A_97 = arith.addi %mul3A_2, %add3A_91 : i32
      %lt3A_98 = arith.constant 2500 : i32
      %lt3A_99 = arith.cmpi slt, %add3A_97, %lt3A_98 : i32
      %and3A_100 = arith.andi %and3A_96, %lt3A_99 : i1
      %convert_element_type3A_101 = arith.extui %and3A_100 : i1 to i32
      %cond3A_102 = arith.constant 0 : i32
      %cond3A_103 = arith.cmpi ne, %convert_element_type3A_101, %cond3A_102 : i32
      scf.if %cond3A_103 {
        %dma_start3A = arith.constant 0 : i32
        %dma_start3A_216 = tpu.memref_slice %arg7[%add3A_91, %dma_start3A] : memref<80x128xi32, #tpu.memory_space<vmem>> -> memref<1x128xi32, #tpu.memory_space<vmem>>
        %dma_start3A_217 = tpu.memref_squeeze %dma_start3A_216 : memref<1x128xi32, #tpu.memory_space<vmem>> -> memref<128xi32, #tpu.memory_space<vmem>>
        %dma_start3A_218 = arith.constant 0 : i32
        %dma_start3A_219 = arith.constant 0 : i32
        %dma_start3A_220 = tpu.memref_slice %arg2[%dma_start3A_218, %dma_start3A_219] : memref<10000x128xf32, #tpu.memory_space<hbm>> -> memref<10000x128xf32, #tpu.memory_space<hbm>>
        tpu.enqueue_indirect_dma source(%dma_start3A_220 : memref<10000x128xf32, #tpu.memory_space<hbm>>) target(%arg11 : memref<128x128xf32, #tpu.memory_space<vmem>>) offsets(%dma_start3A_217 : memref<128xi32, #tpu.memory_space<vmem>>) semaphore(%arg16 : memref<!tpu.dma_semaphore, #tpu.memory_space<semaphore_mem>>)
      } else {
      }
      %sub3A_104 = arith.constant 2 : i32
      %sub3A_105 = arith.subi %add3A_91, %sub3A_104 : i32
      %ge3A_106 = arith.constant 0 : i32
      %ge3A_107 = arith.cmpi sge, %sub3A_105, %ge3A_106 : i32
      %lt3A_108 = arith.constant 80 : i32
      %lt3A_109 = arith.cmpi slt, %sub3A_105, %lt3A_108 : i32
      %and3A_110 = arith.andi %ge3A_107, %lt3A_109 : i1
      %add3A_111 = arith.addi %mul3A_2, %sub3A_105 : i32
      %lt3A_112 = arith.constant 2500 : i32
      %lt3A_113 = arith.cmpi slt, %add3A_111, %lt3A_112 : i32
      %and3A_114 = arith.andi %and3A_110, %lt3A_113 : i1
      %convert_element_type3A_115 = arith.extui %and3A_114 : i1 to i32
      %cond3A_116 = arith.constant 0 : i32
      %cond3A_117 = arith.cmpi ne, %convert_element_type3A_115, %cond3A_116 : i32
      scf.if %cond3A_117 {
        %dma_wait3A = arith.constant 0 : i32
        %dma_wait3A_216 = tpu.memref_slice %arg7[%sub3A_105, %dma_wait3A] : memref<80x128xi32, #tpu.memory_space<vmem>> -> memref<1x128xi32, #tpu.memory_space<vmem>>
        %dma_wait3A_217 = tpu.memref_squeeze %dma_wait3A_216 : memref<1x128xi32, #tpu.memory_space<vmem>> -> memref<128xi32, #tpu.memory_space<vmem>>
        %dma_wait3A_218 = arith.constant 0 : i32
        %dma_wait3A_219 = arith.constant 0 : i32
        %dma_wait3A_220 = tpu.memref_slice %arg2[%dma_wait3A_218, %dma_wait3A_219] : memref<10000x128xf32, #tpu.memory_space<hbm>> -> memref<10000x128xf32, #tpu.memory_space<hbm>>
        tpu.wait_indirect_dma semaphore(%arg14 : memref<!tpu.dma_semaphore, #tpu.memory_space<semaphore_mem>>) src(%dma_wait3A_220 : memref<10000x128xf32, #tpu.memory_space<hbm>>) dst(%arg9 : memref<128x128xf32, #tpu.memory_space<vmem>>)
        %dma_start3A = arith.constant 0 : i32
        %dma_start3A_221 = tpu.memref_slice %arg8[%sub3A_105, %dma_start3A] : memref<80x128xi32, #tpu.memory_space<vmem>> -> memref<1x128xi32, #tpu.memory_space<vmem>>
        %dma_start3A_222 = tpu.memref_squeeze %dma_start3A_221 : memref<1x128xi32, #tpu.memory_space<vmem>> -> memref<128xi32, #tpu.memory_space<vmem>>
        %dma_start3A_223 = arith.constant 0 : i32
        %dma_start3A_224 = arith.constant 0 : i32
        %dma_start3A_225 = tpu.memref_slice %arg3[%dma_start3A_223, %dma_start3A_224] : memref<10000x128xf32, #tpu.memory_space<hbm>> -> memref<10000x128xf32, #tpu.memory_space<hbm>>
        tpu.enqueue_indirect_dma source(%dma_start3A_225 : memref<10000x128xf32, #tpu.memory_space<hbm>>) target(%arg9 : memref<128x128xf32, #tpu.memory_space<vmem>>) offsets(%dma_start3A_222 : memref<128xi32, #tpu.memory_space<vmem>>) semaphore(%arg19 : memref<!tpu.dma_semaphore, #tpu.memory_space<semaphore_mem>>) {add = true}
      } else {
      }
      %sub3A_118 = arith.constant 4 : i32
      %sub3A_119 = arith.subi %add3A_91, %sub3A_118 : i32
      %ge3A_120 = arith.constant 0 : i32
      %ge3A_121 = arith.cmpi sge, %sub3A_119, %ge3A_120 : i32
      %lt3A_122 = arith.constant 80 : i32
      %lt3A_123 = arith.cmpi slt, %sub3A_119, %lt3A_122 : i32
      %and3A_124 = arith.andi %ge3A_121, %lt3A_123 : i1
      %add3A_125 = arith.addi %mul3A_2, %sub3A_119 : i32
      %lt3A_126 = arith.constant 2500 : i32
      %lt3A_127 = arith.cmpi slt, %add3A_125, %lt3A_126 : i32
      %and3A_128 = arith.andi %and3A_124, %lt3A_127 : i1
      %convert_element_type3A_129 = arith.extui %and3A_128 : i1 to i32
      %cond3A_130 = arith.constant 0 : i32
      %cond3A_131 = arith.cmpi ne, %convert_element_type3A_129, %cond3A_130 : i32
      scf.if %cond3A_131 {
        %dma_wait3A = arith.constant 0 : i32
        %dma_wait3A_216 = tpu.memref_slice %arg8[%sub3A_119, %dma_wait3A] : memref<80x128xi32, #tpu.memory_space<vmem>> -> memref<1x128xi32, #tpu.memory_space<vmem>>
        %dma_wait3A_217 = tpu.memref_squeeze %dma_wait3A_216 : memref<1x128xi32, #tpu.memory_space<vmem>> -> memref<128xi32, #tpu.memory_space<vmem>>
        %dma_wait3A_218 = arith.constant 0 : i32
        %dma_wait3A_219 = arith.constant 0 : i32
        %dma_wait3A_220 = tpu.memref_slice %arg3[%dma_wait3A_218, %dma_wait3A_219] : memref<10000x128xf32, #tpu.memory_space<hbm>> -> memref<10000x128xf32, #tpu.memory_space<hbm>>
        tpu.wait_indirect_dma semaphore(%arg22 : memref<!tpu.dma_semaphore, #tpu.memory_space<semaphore_mem>>) src(%dma_wait3A_220 : memref<10000x128xf32, #tpu.memory_space<hbm>>) dst(%arg12 : memref<128x128xf32, #tpu.memory_space<vmem>>)
        %add3A_221 = arith.addi %mul3A_2, %sub3A_119 : i32
        %mul3A_222 = arith.constant 128 : i32
        %mul3A_223 = arith.muli %add3A_221, %mul3A_222 : i32
        "tpu.region"() ({
          %run_scoped3A = tpu.sem_alloc : memref<!tpu.dma_semaphore, #tpu.memory_space<semaphore_mem>>
          %dma_start3A = arith.constant 0 : i32
          %dma_start3A_224 = tpu.memref_slice %arg6[%mul3A_223, %dma_start3A] : memref<320000x128xf32, #tpu.memory_space<hbm>> -> memref<128x128xf32, #tpu.memory_space<hbm>>
          %dma_start3A_225 = arith.constant 0 : i32
          %dma_start3A_226 = tpu.memref_slice %arg6[%mul3A_223, %dma_start3A_225] : memref<320000x128xf32, #tpu.memory_space<hbm>> -> memref<128x128xf32, #tpu.memory_space<hbm>>
          tpu.enqueue_dma source(%arg12 : memref<128x128xf32, #tpu.memory_space<vmem>>) target(%dma_start3A_226 : memref<128x128xf32, #tpu.memory_space<hbm>>) target_semaphore(%run_scoped3A : memref<!tpu.dma_semaphore, #tpu.memory_space<semaphore_mem>>)
          %dma_wait3A_227 = arith.constant 0 : i32
          %dma_wait3A_228 = tpu.memref_slice %arg6[%mul3A_223, %dma_wait3A_227] : memref<320000x128xf32, #tpu.memory_space<hbm>> -> memref<128x128xf32, #tpu.memory_space<hbm>>
          %dma_wait3A_229 = arith.constant 0 : i32
          %dma_wait3A_230 = tpu.memref_slice %arg6[%mul3A_223, %dma_wait3A_229] : memref<320000x128xf32, #tpu.memory_space<hbm>> -> memref<128x128xf32, #tpu.memory_space<hbm>>
          tpu.wait_dma2 semaphore(%run_scoped3A : memref<!tpu.dma_semaphore, #tpu.memory_space<semaphore_mem>>) src(%arg12 : memref<128x128xf32, #tpu.memory_space<vmem>>) dst(%dma_wait3A_230 : memref<128x128xf32, #tpu.memory_space<hbm>>)
          tpu.yield
        }) : () -> ()
      } else {
      }
      %add3A_132 = arith.constant 3 : i32
      %add3A_133 = arith.addi %add3A_11, %add3A_132 : i32
      %ge3A_134 = arith.constant 0 : i32
      %ge3A_135 = arith.cmpi sge, %add3A_133, %ge3A_134 : i32
      %lt3A_136 = arith.constant 80 : i32
      %lt3A_137 = arith.cmpi slt, %add3A_133, %lt3A_136 : i32
      %and3A_138 = arith.andi %ge3A_135, %lt3A_137 : i1
      %add3A_139 = arith.addi %mul3A_2, %add3A_133 : i32
      %lt3A_140 = arith.constant 2500 : i32
      %lt3A_141 = arith.cmpi slt, %add3A_139, %lt3A_140 : i32
      %and3A_142 = arith.andi %and3A_138, %lt3A_141 : i1
      %convert_element_type3A_143 = arith.extui %and3A_142 : i1 to i32
      %cond3A_144 = arith.constant 0 : i32
      %cond3A_145 = arith.cmpi ne, %convert_element_type3A_143, %cond3A_144 : i32
      scf.if %cond3A_145 {
        %dma_start3A = arith.constant 0 : i32
        %dma_start3A_216 = tpu.memref_slice %arg7[%add3A_133, %dma_start3A] : memref<80x128xi32, #tpu.memory_space<vmem>> -> memref<1x128xi32, #tpu.memory_space<vmem>>
        %dma_start3A_217 = tpu.memref_squeeze %dma_start3A_216 : memref<1x128xi32, #tpu.memory_space<vmem>> -> memref<128xi32, #tpu.memory_space<vmem>>
        %dma_start3A_218 = arith.constant 0 : i32
        %dma_start3A_219 = arith.constant 0 : i32
        %dma_start3A_220 = tpu.memref_slice %arg2[%dma_start3A_218, %dma_start3A_219] : memref<10000x128xf32, #tpu.memory_space<hbm>> -> memref<10000x128xf32, #tpu.memory_space<hbm>>
        tpu.enqueue_indirect_dma source(%dma_start3A_220 : memref<10000x128xf32, #tpu.memory_space<hbm>>) target(%arg12 : memref<128x128xf32, #tpu.memory_space<vmem>>) offsets(%dma_start3A_217 : memref<128xi32, #tpu.memory_space<vmem>>) semaphore(%arg17 : memref<!tpu.dma_semaphore, #tpu.memory_space<semaphore_mem>>)
      } else {
      }
      %sub3A_146 = arith.constant 2 : i32
      %sub3A_147 = arith.subi %add3A_133, %sub3A_146 : i32
      %ge3A_148 = arith.constant 0 : i32
      %ge3A_149 = arith.cmpi sge, %sub3A_147, %ge3A_148 : i32
      %lt3A_150 = arith.constant 80 : i32
      %lt3A_151 = arith.cmpi slt, %sub3A_147, %lt3A_150 : i32
      %and3A_152 = arith.andi %ge3A_149, %lt3A_151 : i1
      %add3A_153 = arith.addi %mul3A_2, %sub3A_147 : i32
      %lt3A_154 = arith.constant 2500 : i32
      %lt3A_155 = arith.cmpi slt, %add3A_153, %lt3A_154 : i32
      %and3A_156 = arith.andi %and3A_152, %lt3A_155 : i1
      %convert_element_type3A_157 = arith.extui %and3A_156 : i1 to i32
      %cond3A_158 = arith.constant 0 : i32
      %cond3A_159 = arith.cmpi ne, %convert_element_type3A_157, %cond3A_158 : i32
      scf.if %cond3A_159 {
        %dma_wait3A = arith.constant 0 : i32
        %dma_wait3A_216 = tpu.memref_slice %arg7[%sub3A_147, %dma_wait3A] : memref<80x128xi32, #tpu.memory_space<vmem>> -> memref<1x128xi32, #tpu.memory_space<vmem>>
        %dma_wait3A_217 = tpu.memref_squeeze %dma_wait3A_216 : memref<1x128xi32, #tpu.memory_space<vmem>> -> memref<128xi32, #tpu.memory_space<vmem>>
        %dma_wait3A_218 = arith.constant 0 : i32
        %dma_wait3A_219 = arith.constant 0 : i32
        %dma_wait3A_220 = tpu.memref_slice %arg2[%dma_wait3A_218, %dma_wait3A_219] : memref<10000x128xf32, #tpu.memory_space<hbm>> -> memref<10000x128xf32, #tpu.memory_space<hbm>>
        tpu.wait_indirect_dma semaphore(%arg15 : memref<!tpu.dma_semaphore, #tpu.memory_space<semaphore_mem>>) src(%dma_wait3A_220 : memref<10000x128xf32, #tpu.memory_space<hbm>>) dst(%arg10 : memref<128x128xf32, #tpu.memory_space<vmem>>)
        %dma_start3A = arith.constant 0 : i32
        %dma_start3A_221 = tpu.memref_slice %arg8[%sub3A_147, %dma_start3A] : memref<80x128xi32, #tpu.memory_space<vmem>> -> memref<1x128xi32, #tpu.memory_space<vmem>>
        %dma_start3A_222 = tpu.memref_squeeze %dma_start3A_221 : memref<1x128xi32, #tpu.memory_space<vmem>> -> memref<128xi32, #tpu.memory_space<vmem>>
        %dma_start3A_223 = arith.constant 0 : i32
        %dma_start3A_224 = arith.constant 0 : i32
        %dma_start3A_225 = tpu.memref_slice %arg3[%dma_start3A_223, %dma_start3A_224] : memref<10000x128xf32, #tpu.memory_space<hbm>> -> memref<10000x128xf32, #tpu.memory_space<hbm>>
        tpu.enqueue_indirect_dma source(%dma_start3A_225 : memref<10000x128xf32, #tpu.memory_space<hbm>>) target(%arg10 : memref<128x128xf32, #tpu.memory_space<vmem>>) offsets(%dma_start3A_222 : memref<128xi32, #tpu.memory_space<vmem>>) semaphore(%arg20 : memref<!tpu.dma_semaphore, #tpu.memory_space<semaphore_mem>>) {add = true}
      } else {
      }
      %sub3A_160 = arith.constant 4 : i32
      %sub3A_161 = arith.subi %add3A_133, %sub3A_160 : i32
      %ge3A_162 = arith.constant 0 : i32
      %ge3A_163 = arith.cmpi sge, %sub3A_161, %ge3A_162 : i32
      %lt3A_164 = arith.constant 80 : i32
      %lt3A_165 = arith.cmpi slt, %sub3A_161, %lt3A_164 : i32
      %and3A_166 = arith.andi %ge3A_163, %lt3A_165 : i1
      %add3A_167 = arith.addi %mul3A_2, %sub3A_161 : i32
      %lt3A_168 = arith.constant 2500 : i32
      %lt3A_169 = arith.cmpi slt, %add3A_167, %lt3A_168 : i32
      %and3A_170 = arith.andi %and3A_166, %lt3A_169 : i1
      %convert_element_type3A_171 = arith.extui %and3A_170 : i1 to i32
      %cond3A_172 = arith.constant 0 : i32
      %cond3A_173 = arith.cmpi ne, %convert_element_type3A_171, %cond3A_172 : i32
      scf.if %cond3A_173 {
        %dma_wait3A = arith.constant 0 : i32
        %dma_wait3A_216 = tpu.memref_slice %arg8[%sub3A_161, %dma_wait3A] : memref<80x128xi32, #tpu.memory_space<vmem>> -> memref<1x128xi32, #tpu.memory_space<vmem>>
        %dma_wait3A_217 = tpu.memref_squeeze %dma_wait3A_216 : memref<1x128xi32, #tpu.memory_space<vmem>> -> memref<128xi32, #tpu.memory_space<vmem>>
        %dma_wait3A_218 = arith.constant 0 : i32
        %dma_wait3A_219 = arith.constant 0 : i32
        %dma_wait3A_220 = tpu.memref_slice %arg3[%dma_wait3A_218, %dma_wait3A_219] : memref<10000x128xf32, #tpu.memory_space<hbm>> -> memref<10000x128xf32, #tpu.memory_space<hbm>>
        tpu.wait_indirect_dma semaphore(%arg23 : memref<!tpu.dma_semaphore, #tpu.memory_space<semaphore_mem>>) src(%dma_wait3A_220 : memref<10000x128xf32, #tpu.memory_space<hbm>>) dst(%arg13 : memref<128x128xf32, #tpu.memory_space<vmem>>)
        %add3A_221 = arith.addi %mul3A_2, %sub3A_161 : i32
        %mul3A_222 = arith.constant 128 : i32
        %mul3A_223 = arith.muli %add3A_221, %mul3A_222 : i32
        "tpu.region"() ({
          %run_scoped3A = tpu.sem_alloc : memref<!tpu.dma_semaphore, #tpu.memory_space<semaphore_mem>>
          %dma_start3A = arith.constant 0 : i32
          %dma_start3A_224 = tpu.memref_slice %arg6[%mul3A_223, %dma_start3A] : memref<320000x128xf32, #tpu.memory_space<hbm>> -> memref<128x128xf32, #tpu.memory_space<hbm>>
          %dma_start3A_225 = arith.constant 0 : i32
          %dma_start3A_226 = tpu.memref_slice %arg6[%mul3A_223, %dma_start3A_225] : memref<320000x128xf32, #tpu.memory_space<hbm>> -> memref<128x128xf32, #tpu.memory_space<hbm>>
          tpu.enqueue_dma source(%arg13 : memref<128x128xf32, #tpu.memory_space<vmem>>) target(%dma_start3A_226 : memref<128x128xf32, #tpu.memory_space<hbm>>) target_semaphore(%run_scoped3A : memref<!tpu.dma_semaphore, #tpu.memory_space<semaphore_mem>>)
          %dma_wait3A_227 = arith.constant 0 : i32
          %dma_wait3A_228 = tpu.memref_slice %arg6[%mul3A_223, %dma_wait3A_227] : memref<320000x128xf32, #tpu.memory_space<hbm>> -> memref<128x128xf32, #tpu.memory_space<hbm>>
          %dma_wait3A_229 = arith.constant 0 : i32
          %dma_wait3A_230 = tpu.memref_slice %arg6[%mul3A_223, %dma_wait3A_229] : memref<320000x128xf32, #tpu.memory_space<hbm>> -> memref<128x128xf32, #tpu.memory_space<hbm>>
          tpu.wait_dma2 semaphore(%run_scoped3A : memref<!tpu.dma_semaphore, #tpu.memory_space<semaphore_mem>>) src(%arg13 : memref<128x128xf32, #tpu.memory_space<vmem>>) dst(%dma_wait3A_230 : memref<128x128xf32, #tpu.memory_space<hbm>>)
          tpu.yield
        }) : () -> ()
      } else {
      }
      %add3A_174 = arith.constant 4 : i32
      %add3A_175 = arith.addi %add3A_11, %add3A_174 : i32
      %ge3A_176 = arith.constant 0 : i32
      %ge3A_177 = arith.cmpi sge, %add3A_175, %ge3A_176 : i32
      %lt3A_178 = arith.constant 80 : i32
      %lt3A_179 = arith.cmpi slt, %add3A_175, %lt3A_178 : i32
      %and3A_180 = arith.andi %ge3A_177, %lt3A_179 : i1
      %add3A_181 = arith.addi %mul3A_2, %add3A_175 : i32
      %lt3A_182 = arith.constant 2500 : i32
      %lt3A_183 = arith.cmpi slt, %add3A_181, %lt3A_182 : i32
      %and3A_184 = arith.andi %and3A_180, %lt3A_183 : i1
      %convert_element_type3A_185 = arith.extui %and3A_184 : i1 to i32
      %cond3A_186 = arith.constant 0 : i32
      %cond3A_187 = arith.cmpi ne, %convert_element_type3A_185, %cond3A_186 : i32
      scf.if %cond3A_187 {
        %dma_start3A = arith.constant 0 : i32
        %dma_start3A_216 = tpu.memref_slice %arg7[%add3A_175, %dma_start3A] : memref<80x128xi32, #tpu.memory_space<vmem>> -> memref<1x128xi32, #tpu.memory_space<vmem>>
        %dma_start3A_217 = tpu.memref_squeeze %dma_start3A_216 : memref<1x128xi32, #tpu.memory_space<vmem>> -> memref<128xi32, #tpu.memory_space<vmem>>
        %dma_start3A_218 = arith.constant 0 : i32
        %dma_start3A_219 = arith.constant 0 : i32
        %dma_start3A_220 = tpu.memref_slice %arg2[%dma_start3A_218, %dma_start3A_219] : memref<10000x128xf32, #tpu.memory_space<hbm>> -> memref<10000x128xf32, #tpu.memory_space<hbm>>
        tpu.enqueue_indirect_dma source(%dma_start3A_220 : memref<10000x128xf32, #tpu.memory_space<hbm>>) target(%arg13 : memref<128x128xf32, #tpu.memory_space<vmem>>) offsets(%dma_start3A_217 : memref<128xi32, #tpu.memory_space<vmem>>) semaphore(%arg18 : memref<!tpu.dma_semaphore, #tpu.memory_space<semaphore_mem>>)
      } else {
      }
      %sub3A_188 = arith.constant 2 : i32
      %sub3A_189 = arith.subi %add3A_175, %sub3A_188 : i32
      %ge3A_190 = arith.constant 0 : i32
      %ge3A_191 = arith.cmpi sge, %sub3A_189, %ge3A_190 : i32
      %lt3A_192 = arith.constant 80 : i32
      %lt3A_193 = arith.cmpi slt, %sub3A_189, %lt3A_192 : i32
      %and3A_194 = arith.andi %ge3A_191, %lt3A_193 : i1
      %add3A_195 = arith.addi %mul3A_2, %sub3A_189 : i32
      %lt3A_196 = arith.constant 2500 : i32
      %lt3A_197 = arith.cmpi slt, %add3A_195, %lt3A_196 : i32
      %and3A_198 = arith.andi %and3A_194, %lt3A_197 : i1
      %convert_element_type3A_199 = arith.extui %and3A_198 : i1 to i32
      %cond3A_200 = arith.constant 0 : i32
      %cond3A_201 = arith.cmpi ne, %convert_element_type3A_199, %cond3A_200 : i32
      scf.if %cond3A_201 {
        %dma_wait3A = arith.constant 0 : i32
        %dma_wait3A_216 = tpu.memref_slice %arg7[%sub3A_189, %dma_wait3A] : memref<80x128xi32, #tpu.memory_space<vmem>> -> memref<1x128xi32, #tpu.memory_space<vmem>>
        %dma_wait3A_217 = tpu.memref_squeeze %dma_wait3A_216 : memref<1x128xi32, #tpu.memory_space<vmem>> -> memref<128xi32, #tpu.memory_space<vmem>>
        %dma_wait3A_218 = arith.constant 0 : i32
        %dma_wait3A_219 = arith.constant 0 : i32
        %dma_wait3A_220 = tpu.memref_slice %arg2[%dma_wait3A_218, %dma_wait3A_219] : memref<10000x128xf32, #tpu.memory_space<hbm>> -> memref<10000x128xf32, #tpu.memory_space<hbm>>
        tpu.wait_indirect_dma semaphore(%arg16 : memref<!tpu.dma_semaphore, #tpu.memory_space<semaphore_mem>>) src(%dma_wait3A_220 : memref<10000x128xf32, #tpu.memory_space<hbm>>) dst(%arg11 : memref<128x128xf32, #tpu.memory_space<vmem>>)
        %dma_start3A = arith.constant 0 : i32
        %dma_start3A_221 = tpu.memref_slice %arg8[%sub3A_189, %dma_start3A] : memref<80x128xi32, #tpu.memory_space<vmem>> -> memref<1x128xi32, #tpu.memory_space<vmem>>
        %dma_start3A_222 = tpu.memref_squeeze %dma_start3A_221 : memref<1x128xi32, #tpu.memory_space<vmem>> -> memref<128xi32, #tpu.memory_space<vmem>>
        %dma_start3A_223 = arith.constant 0 : i32
        %dma_start3A_224 = arith.constant 0 : i32
        %dma_start3A_225 = tpu.memref_slice %arg3[%dma_start3A_223, %dma_start3A_224] : memref<10000x128xf32, #tpu.memory_space<hbm>> -> memref<10000x128xf32, #tpu.memory_space<hbm>>
        tpu.enqueue_indirect_dma source(%dma_start3A_225 : memref<10000x128xf32, #tpu.memory_space<hbm>>) target(%arg11 : memref<128x128xf32, #tpu.memory_space<vmem>>) offsets(%dma_start3A_222 : memref<128xi32, #tpu.memory_space<vmem>>) semaphore(%arg21 : memref<!tpu.dma_semaphore, #tpu.memory_space<semaphore_mem>>) {add = true}
      } else {
      }
      %sub3A_202 = arith.constant 4 : i32
      %sub3A_203 = arith.subi %add3A_175, %sub3A_202 : i32
      %ge3A_204 = arith.constant 0 : i32
      %ge3A_205 = arith.cmpi sge, %sub3A_203, %ge3A_204 : i32
      %lt3A_206 = arith.constant 80 : i32
      %lt3A_207 = arith.cmpi slt, %sub3A_203, %lt3A_206 : i32
      %and3A_208 = arith.andi %ge3A_205, %lt3A_207 : i1
      %add3A_209 = arith.addi %mul3A_2, %sub3A_203 : i32
      %lt3A_210 = arith.constant 2500 : i32
      %lt3A_211 = arith.cmpi slt, %add3A_209, %lt3A_210 : i32
      %and3A_212 = arith.andi %and3A_208, %lt3A_211 : i1
      %convert_element_type3A_213 = arith.extui %and3A_212 : i1 to i32
      %cond3A_214 = arith.constant 0 : i32
      %cond3A_215 = arith.cmpi ne, %convert_element_type3A_213, %cond3A_214 : i32
      scf.if %cond3A_215 {
        %dma_wait3A = arith.constant 0 : i32
        %dma_wait3A_216 = tpu.memref_slice %arg8[%sub3A_203, %dma_wait3A] : memref<80x128xi32, #tpu.memory_space<vmem>> -> memref<1x128xi32, #tpu.memory_space<vmem>>
        %dma_wait3A_217 = tpu.memref_squeeze %dma_wait3A_216 : memref<1x128xi32, #tpu.memory_space<vmem>> -> memref<128xi32, #tpu.memory_space<vmem>>
        %dma_wait3A_218 = arith.constant 0 : i32
        %dma_wait3A_219 = arith.constant 0 : i32
        %dma_wait3A_220 = tpu.memref_slice %arg3[%dma_wait3A_218, %dma_wait3A_219] : memref<10000x128xf32, #tpu.memory_space<hbm>> -> memref<10000x128xf32, #tpu.memory_space<hbm>>
        tpu.wait_indirect_dma semaphore(%arg19 : memref<!tpu.dma_semaphore, #tpu.memory_space<semaphore_mem>>) src(%dma_wait3A_220 : memref<10000x128xf32, #tpu.memory_space<hbm>>) dst(%arg9 : memref<128x128xf32, #tpu.memory_space<vmem>>)
        %add3A_221 = arith.addi %mul3A_2, %sub3A_203 : i32
        %mul3A_222 = arith.constant 128 : i32
        %mul3A_223 = arith.muli %add3A_221, %mul3A_222 : i32
        "tpu.region"() ({
          %run_scoped3A = tpu.sem_alloc : memref<!tpu.dma_semaphore, #tpu.memory_space<semaphore_mem>>
          %dma_start3A = arith.constant 0 : i32
          %dma_start3A_224 = tpu.memref_slice %arg6[%mul3A_223, %dma_start3A] : memref<320000x128xf32, #tpu.memory_space<hbm>> -> memref<128x128xf32, #tpu.memory_space<hbm>>
          %dma_start3A_225 = arith.constant 0 : i32
          %dma_start3A_226 = tpu.memref_slice %arg6[%mul3A_223, %dma_start3A_225] : memref<320000x128xf32, #tpu.memory_space<hbm>> -> memref<128x128xf32, #tpu.memory_space<hbm>>
          tpu.enqueue_dma source(%arg9 : memref<128x128xf32, #tpu.memory_space<vmem>>) target(%dma_start3A_226 : memref<128x128xf32, #tpu.memory_space<hbm>>) target_semaphore(%run_scoped3A : memref<!tpu.dma_semaphore, #tpu.memory_space<semaphore_mem>>)
          %dma_wait3A_227 = arith.constant 0 : i32
          %dma_wait3A_228 = tpu.memref_slice %arg6[%mul3A_223, %dma_wait3A_227] : memref<320000x128xf32, #tpu.memory_space<hbm>> -> memref<128x128xf32, #tpu.memory_space<hbm>>
          %dma_wait3A_229 = arith.constant 0 : i32
          %dma_wait3A_230 = tpu.memref_slice %arg6[%mul3A_223, %dma_wait3A_229] : memref<320000x128xf32, #tpu.memory_space<hbm>> -> memref<128x128xf32, #tpu.memory_space<hbm>>
          tpu.wait_dma2 semaphore(%run_scoped3A : memref<!tpu.dma_semaphore, #tpu.memory_space<semaphore_mem>>) src(%arg9 : memref<128x128xf32, #tpu.memory_space<vmem>>) dst(%dma_wait3A_230 : memref<128x128xf32, #tpu.memory_space<hbm>>)
          tpu.yield
        }) : () -> ()
      } else {
      }
    }
    %scan3A_6 = arith.constant 17 : i32
    return
  }
}

module attributes {stable_mosaic.version = 14 : i64} {
  func.func @_mlp_body(%arg0: i32, %arg1: memref<8000x128xf32, #tpu.memory_space<vmem>>, %arg2: memref<1x128xf32, #tpu.memory_space<vmem>>, %arg3: memref<128x128xf32, #tpu.memory_space<vmem>>, %arg4: memref<1x128xf32, #tpu.memory_space<vmem>>, %arg5: memref<8000x128xf32, #tpu.memory_space<vmem>>) attributes {dimension_semantics = [#tpu.dimension_semantics<arbitrary>], iteration_bounds = array<i64: 40>, scalar_prefetch = 0 : i64, scratch_operands = 0 : i64, tpu.core_type = #tpu.core_type<tc>, window_params = [{transform_indices = @transform_0, window_bounds = array<i64: 8000, 128>}, {pipeline_mode = #tpu.pipeline_mode<synchronous>, transform_indices = @transform_1, window_bounds = array<i64: 1, 128>}, {pipeline_mode = #tpu.pipeline_mode<synchronous>, transform_indices = @transform_2, window_bounds = array<i64: 128, 128>}, {pipeline_mode = #tpu.pipeline_mode<synchronous>, transform_indices = @transform_3, window_bounds = array<i64: 1, 128>}, {transform_indices = @transform_4, window_bounds = array<i64: 8000, 128>}]} {
    %get3A = arith.constant 0 : index
    %get3A_0 = arith.constant 0 : index
    %get3A_1 = vector.load %arg1[%get3A, %get3A_0] : memref<8000x128xf32, #tpu.memory_space<vmem>>, vector<8000x128xf32>
    %get3A_2 = arith.constant 0 : index
    %get3A_3 = arith.constant 0 : index
    %get3A_4 = vector.load %arg2[%get3A_2, %get3A_3] : memref<1x128xf32, #tpu.memory_space<vmem>>, vector<1x128xf32>
    %add3A = vector.broadcast %get3A_4 : vector<1x128xf32> to vector<8000x128xf32>
    %add3A_5 = arith.addf %get3A_1, %add3A : vector<8000x128xf32>
    %max3A = arith.constant 0.000000e+00 : f32
    %max3A_6 = vector.broadcast %max3A : f32 to vector<8000x128xf32>
    %max3A_7 = arith.maximumf %add3A_5, %max3A_6 : vector<8000x128xf32>
    %get3A_8 = arith.constant 0 : index
    %get3A_9 = arith.constant 0 : index
    %get3A_10 = vector.load %arg3[%get3A_8, %get3A_9] : memref<128x128xf32, #tpu.memory_space<vmem>>, vector<128x128xf32>
    %dot_general3A = arith.constant dense<0.000000e+00> : vector<8000x128xf32>
    %dot_general3A_11 = tpu.matmul %max3A_7, %get3A_10, %dot_general3A {dimension_numbers = #tpu.dot_dimension_numbers<[1], [0], [0], [1], [0, 0, 1, 1], [], []>, transpose_lhs_hint = false} : vector<8000x128xf32>, vector<128x128xf32>, vector<8000x128xf32> -> vector<8000x128xf32>
    %get3A_12 = arith.constant 0 : index
    %get3A_13 = arith.constant 0 : index
    %get3A_14 = vector.load %arg4[%get3A_12, %get3A_13] : memref<1x128xf32, #tpu.memory_space<vmem>>, vector<1x128xf32>
    %add3A_15 = vector.broadcast %get3A_14 : vector<1x128xf32> to vector<8000x128xf32>
    %add3A_16 = arith.addf %dot_general3A_11, %add3A_15 : vector<8000x128xf32>
    %swap3A = arith.constant 0 : index
    %swap3A_17 = arith.constant 0 : index
    %swap3A_18 = vector.load %arg5[%swap3A, %swap3A_17] : memref<8000x128xf32, #tpu.memory_space<vmem>>, vector<8000x128xf32>
    tpu.vector_store %arg5[%swap3A, %swap3A_17], %add3A_16 {strides = array<i32>} : memref<8000x128xf32, #tpu.memory_space<vmem>>, vector<8000x128xf32>,
    return
  }
  func.func @transform_0(%arg0: i32) -> (i32, i32) {
    %c0_i32 = arith.constant 0 : i32
    %c0_i32_0 = arith.constant 0 : i32
    return %arg0, %c0_i32 : i32, i32
  }
  func.func @transform_1(%arg0: i32) -> (i32, i32) {
    %c0_i32 = arith.constant 0 : i32
    %c0_i32_0 = arith.constant 0 : i32
    %c0_i32_1 = arith.constant 0 : i32
    return %c0_i32, %c0_i32_0 : i32, i32
  }
  func.func @transform_2(%arg0: i32) -> (i32, i32) {
    %c0_i32 = arith.constant 0 : i32
    %c0_i32_0 = arith.constant 0 : i32
    %c0_i32_1 = arith.constant 0 : i32
    return %c0_i32, %c0_i32_0 : i32, i32
  }
  func.func @transform_3(%arg0: i32) -> (i32, i32) {
    %c0_i32 = arith.constant 0 : i32
    %c0_i32_0 = arith.constant 0 : i32
    %c0_i32_1 = arith.constant 0 : i32
    return %c0_i32, %c0_i32_0 : i32, i32
  }
  func.func @transform_4(%arg0: i32) -> (i32, i32) {
    %c0_i32 = arith.constant 0 : i32
    %c0_i32_0 = arith.constant 0 : i32
    return %arg0, %c0_i32 : i32, i32
  }
}

module attributes {stable_mosaic.version = 14 : i64} {
  func.func @_tables_body(%arg0: i32, %arg1: memref<2000x128xf32, #tpu.memory_space<vmem>>, %arg2: memref<128x128xf32, #tpu.memory_space<vmem>>, %arg3: memref<1xf32, #tpu.memory_space<smem>>, %arg4: memref<2000x128xf32, #tpu.memory_space<vmem>>, %arg5: memref<2000x128xf32, #tpu.memory_space<vmem>>) attributes {dimension_semantics = [#tpu.dimension_semantics<arbitrary>], iteration_bounds = array<i64: 5>, scalar_prefetch = 0 : i64, scratch_operands = 0 : i64, tpu.core_type = #tpu.core_type<tc>, window_params = [{transform_indices = @transform_0, window_bounds = array<i64: 2000, 128>}, {pipeline_mode = #tpu.pipeline_mode<synchronous>, transform_indices = @transform_1, window_bounds = array<i64: 128, 128>}, {transform_indices = @transform_2, window_bounds = array<i64: 1>}, {transform_indices = @transform_3, window_bounds = array<i64: 2000, 128>}, {transform_indices = @transform_4, window_bounds = array<i64: 2000, 128>}]} {
    %get3A = arith.constant 0 : index
    %get3A_0 = arith.constant 0 : index
    %get3A_1 = vector.load %arg1[%get3A, %get3A_0] : memref<2000x128xf32, #tpu.memory_space<vmem>>, vector<2000x128xf32>
    %get3A_2 = arith.constant 0 : index
    %get3A_3 = arith.constant 0 : index
    %get3A_4 = vector.load %arg2[%get3A_2, %get3A_3] : memref<128x128xf32, #tpu.memory_space<vmem>>, vector<128x128xf32>
    %dot_general3A = arith.constant dense<0.000000e+00> : vector<2000x128xf32>
    %dot_general3A_5 = tpu.matmul %get3A_1, %get3A_4, %dot_general3A {dimension_numbers = #tpu.dot_dimension_numbers<[1], [0], [0], [1], [0, 0, 1, 1], [], []>, transpose_lhs_hint = false} : vector<2000x128xf32>, vector<128x128xf32>, vector<2000x128xf32> -> vector<2000x128xf32>
    %swap3A = arith.constant 0 : index
    %swap3A_6 = arith.constant 0 : index
    %swap3A_7 = vector.load %arg5[%swap3A, %swap3A_6] : memref<2000x128xf32, #tpu.memory_space<vmem>>, vector<2000x128xf32>
    tpu.vector_store %arg5[%swap3A, %swap3A_6], %dot_general3A_5 {strides = array<i32>} : memref<2000x128xf32, #tpu.memory_space<vmem>>, vector<2000x128xf32>,
    %get3A_8 = arith.constant 0 : index
    %get3A_9 = memref.load %arg3[%get3A_8] : memref<1xf32, #tpu.memory_space<smem>>
    %add3A = arith.constant 1.000000e+00 : f32
    %add3A_10 = arith.addf %add3A, %get3A_9 : f32
    %mul3A = vector.broadcast %add3A_10 : f32 to vector<2000x128xf32>
    %mul3A_11 = arith.mulf %mul3A, %dot_general3A_5 : vector<2000x128xf32>
    %swap3A_12 = arith.constant 0 : index
    %swap3A_13 = arith.constant 0 : index
    %swap3A_14 = vector.load %arg4[%swap3A_12, %swap3A_13] : memref<2000x128xf32, #tpu.memory_space<vmem>>, vector<2000x128xf32>
    tpu.vector_store %arg4[%swap3A_12, %swap3A_13], %mul3A_11 {strides = array<i32>} : memref<2000x128xf32, #tpu.memory_space<vmem>>, vector<2000x128xf32>,
    return
  }
  func.func @transform_0(%arg0: i32) -> (i32, i32) {
    %c0_i32 = arith.constant 0 : i32
    %c0_i32_0 = arith.constant 0 : i32
    return %arg0, %c0_i32 : i32, i32
  }
  func.func @transform_1(%arg0: i32) -> (i32, i32) {
    %c0_i32 = arith.constant 0 : i32
    %c0_i32_0 = arith.constant 0 : i32
    %c0_i32_1 = arith.constant 0 : i32
    return %c0_i32, %c0_i32_0 : i32, i32
  }
  func.func @transform_2(%arg0: i32) -> i32 {
    %c0_i32 = arith.constant 0 : i32
    %c0_i32_0 = arith.constant 0 : i32
    return %c0_i32 : i32
  }
  func.func @transform_3(%arg0: i32) -> (i32, i32) {
    %c0_i32 = arith.constant 0 : i32
    %c0_i32_0 = arith.constant 0 : i32
    return %arg0, %c0_i32 : i32, i32
  }
  func.func @transform_4(%arg0: i32) -> (i32, i32) {
    %c0_i32 = arith.constant 0 : i32
    %c0_i32_0 = arith.constant 0 : i32
    return %arg0, %c0_i32 : i32, i32
  }
}

</mosaic_0001>

<sc_bundles>
// kernel: kernel.5.cloned.1.call-start
scs
__scs_entry_jumppad:
0x0: {  	(pc) =	sbr.rel $0x88, $3  }
0x1: {  	(tag) =	ssettag $0x0;
	lr =	simm.s32 $0x1  }
0x2: {  	[smem:$0x3F9A] =	sst lr;
	_ =	strace $0xD0000000  }
0x3: {  	_ = 	snop  }
0x4: {  	_ = 	snop  }
0x5: {  	_ = 	snop  }
0x6: {  	_ = 	snop  }
0x7: {  	_ = 	snop  }
__scs_overlays_trampoline_lowered:
0x8: {  	[smem:$0x3FA9] =	sst s0  }
0x9: {  	[smem:$0x3FAA] =	sst s1  }
0xa: {  	[smem:$0x3FAB] =	sst s2  }
0xb: {  	[smem:$0x3FAC] =	sst s3  }
0xc: {  	[smem:$0x3FAD] =	sst s4  }
0xd: {  	[smem:$0x3FAE] =	sst s5  }
0xe: {  	[smem:$0x3FAF] =	sst s6  }
0xf: {  	[smem:$0x3FB0] =	sst s7  }
0x10: {  	[smem:$0x3FB1] =	sst s8  }
0x11: {  	[smem:$0x3FB2] =	sst s9;
	s0 =	simm.s32 @!p0 $0x0  }
0x12: {  	s1 =	sld [smem:$0x3F98];
	s0 =	simm.s32 @p0 $0x1  }
0x13: {  	[smem:$0x3FB3] =	sst s0;
	s0 =	simm.s32 @!p1 $0x0  }
0x14: {  	s2 =	sld [smem:$0x3F97];
	s0 =	simm.s32 @p1 $0x1  }
0x15: {  	[smem:$0x3FB4] =	sst s0;
	s0 =	simm.s32 @!p2 $0x0  }
0x16: {  	s3 =	sld [smem:$0x3FDB];
	s0 =	simm.s32 @p2 $0x1  }
0x17: {  	s4 =	simm.s32 $0x1BF5;
	[smem:$0x3FB6] =	sst s0  }
0x18: {  	s0 =	sld [smem:$0x3F99];
	_ =	swait.ge [sflag:s4], $0x0  }
0x19: {  	s7 =	sld [smem:$0x3F9A]  }
0x1a: {  	s8 =	sadd.s32 $0xFFFFE003, lr  }
0x1b: {  	s9 =	sadd.s32 $0xFFFFFEF7, lr;
	s5 =	simm.s32 $0xFFFFFFFF;
	p2 =	slt.u32 s8, $0xFFFFF086  }
0x1c: {  	p1 =	slt.u32 s9, $0xF7A;
	s5 =	simm.s32 @!p2 $0x0  }
0x1d: {  	s5 =	simm.s32 @p1 $0x1;
	p0 =	seq.s32 s7, s2  }
0x1e: {  	s7 =	smul.u32 @!p0 $0xF7A, s2;
	p2 =	seq.s32 @!p0 s5, $0x0  }
0x1f: {  	s9 =	smul.u32 $0xF7A, s1;
	s8 =	simm.s32 @!p0 $0x1BF5;
	p2 =	por !p2, p0  }
0x20: {  	[sflag:s8] =	ssyncset.s32 @!p0 $0xFFFFF086;
	s6 =	sadd.s32 @!p0 s3, s7;
	s7 =	simm.s32 @!p0 $0x108  }
0x21: {  	s3 =	sadd.s32 s3, s9;
	s6 =	sadd.s32 @!p0 $0x88, s6;
	s7 =	simm.s32 @p2 $0x1082  }
0x22: {  	[simem:s7], [sflag:s8] =	dma.local @!p0 [hbm:s6], $0xF7A  }
0x23: {  	s9 =	sor.u32 $0xD0000000, s2;
	s6 =	simm.s32 $0x108;
	_ =	swait.ge @!p0 [sflag:s8], $0x0  }
0x24: {  	s3 =	sadd.s32 $0x88, s3;
	s6 =	simm.s32 @!p1 $0x1082;
	[sflag:s4] =	ssyncset.s32 $0xFFFFF086  }
0x25: {  	[simem:s6], [sflag:s4] =	dma.local [hbm:s3], $0xF7A  }
0x26: {  	[smem:$0x3F9A] =	sst s1;
	(tag) =	ssettag s2;
	_ =	strace s9  }
0x27: {  	s1 =	sld [smem:$0x3FAA]  }
0x28: {  	s2 =	sld [smem:$0x3FAB]  }
0x29: {  	s4 =	sld [smem:$0x3FAD]  }
0x2a: {  	p0 =	seq.s32 s5, $0x0;
	s5 =	sld [smem:$0x3FAE]  }
0x2b: {  	s6 =	sld [smem:$0x3FAF]  }
0x2c: {  	s7 =	sld [smem:$0x3FB0]  }
0x2d: {  	s3 =	simm.s32 $0x108;
	s8 =	sld [smem:$0x3FB1]  }
0x2e: {  	s3 =	simm.s32 @!p0 $0x1082;
	s9 =	sld [smem:$0x3FB2]  }
0x2f: {  	lr =	sadd.s32 s0, s3;
	s0 =	sld [smem:$0x3FA9]  }
0x30: {  	s3 =	sld [smem:$0x3FAC]  }
0x31: {  	[smem:$0x3FB5] =	sst s10  }
0x32: {  	s10 =	sld [smem:$0x3FB3];
	_ =	sdelay $0x3  }
0x33: {  	p0 =	seq.s32 s10, $0x1;
	s10 =	sld [smem:$0x3FB5];
	_ =	sdelay $0x3  }
0x34: {  	[smem:$0x3FB5] =	sst s10  }
0x35: {  	s10 =	sld [smem:$0x3FB4];
	_ =	sdelay $0x3  }
0x36: {  	p1 =	seq.s32 s10, $0x1;
	s10 =	sld [smem:$0x3FB5];
	_ =	sdelay $0x3  }
0x37: {  	[smem:$0x3FB5] =	sst s10  }
0x38: {  	s10 =	sld [smem:$0x3FB6]  }
0x39: {  	_ = 	snop;
	(pc) =	sbr.ind lr, $3  }
0x3a: {  	_ = 	snop  }
0x3b: {  	_ = 	snop  }
0x3c: {  	p2 =	seq.s32 s10, $0x1;
	s10 =	sld [smem:$0x3FB5]  }
0x3d: {  	_ =	shalt  }
0x3e: {  	_ =	shalt  }
0x3f: {  	_ =	shalt  }
0x40: {  	_ =	shalt  }
0x41: {  	_ =	shalt  }
0x42: {  	_ =	shalt  }
0x43: {  	_ =	shalt  }
0x44: {  	_ =	shalt  }
0x45: {  	_ =	shalt  }
0x46: {  	_ =	shalt  }
0x47: {  	_ =	shalt  }
0x48: {  	_ =	shalt  }
0x49: {  	_ =	shalt  }
0x4a: {  	_ =	shalt  }
0x4b: {  	_ =	shalt  }
0x4c: {  	_ =	shalt  }
0x4d: {  	_ =	shalt  }
0x4e: {  	_ =	shalt  }
0x4f: {  	_ =	shalt  }
0x50: {  	_ =	shalt  }
0x51: {  	_ =	shalt  }
0x52: {  	_ =	shalt  }
0x53: {  	_ =	shalt  }
0x54: {  	_ =	shalt  }
0x55: {  	_ =	shalt  }
0x56: {  	_ =	shalt  }
0x57: {  	_ =	shalt  }
0x58: {  	_ =	shalt  }
0x59: {  	_ =	shalt  }
0x5a: {  	_ =	shalt  }
0x5b: {  	_ =	shalt  }
0x5c: {  	_ =	shalt  }
0x5d: {  	_ =	shalt  }
0x5e: {  	_ =	shalt  }
0x5f: {  	_ =	shalt  }
0x60: {  	_ =	shalt  }
0x61: {  	_ =	shalt  }
0x62: {  	_ =	shalt  }
0x63: {  	_ =	shalt  }
0x64: {  	_ =	shalt  }
0x65: {  	_ =	shalt  }
0x66: {  	_ =	shalt  }
0x67: {  	_ =	shalt  }
0x68: {  	_ =	shalt  }
0x69: {  	_ =	shalt  }
0x6a: {  	_ =	shalt  }
0x6b: {  	_ =	shalt  }
0x6c: {  	_ =	shalt  }
0x6d: {  	_ =	shalt  }
0x6e: {  	_ =	shalt  }
0x6f: {  	_ =	shalt  }
0x70: {  	_ =	shalt  }
0x71: {  	_ =	shalt  }
0x72: {  	_ =	shalt  }
0x73: {  	_ =	shalt  }
0x74: {  	_ =	shalt  }
0x75: {  	_ =	shalt  }
0x76: {  	_ =	shalt  }
0x77: {  	_ =	shalt  }
0x78: {  	_ =	shalt  }
0x79: {  	_ =	shalt  }
0x7a: {  	_ =	shalt  }
0x7b: {  	_ =	shalt  }
0x7c: {  	_ =	shalt  }
0x7d: {  	_ =	shalt  }
0x7e: {  	_ =	shalt  }
0x7f: {  	_ =	shalt  }
0x80: {  	_ =	shalt  }
0x81: {  	_ =	shalt  }
0x82: {  	_ =	shalt  }
0x83: {  	_ =	shalt  }
0x84: {  	_ =	shalt  }
0x85: {  	_ =	shalt  }
0x86: {  	_ =	shalt  }
0x87: {  	_ =	shalt  }
.Lfunc_end0:
.L_simem_size_0:
called_computation_lowered:
.L_overlay_start_0:
0x88: {  	s2 =	sld [smem:$0x3FD9]  }
0x89: {  	s3 =	sld [smem:$0x3FFE];
	_ =	sdelay $0x1  }
0x8a: {  	s1 =	srdreg.scid  }
0x8b: {  	s0 =	sand.u32 $0x1, s1  }
0x8c: {  	s17 =	sshll.u32 s0, $0xA;
	s2 =	sadd.s32 s3, s2  }
0x8d: {  	s2 =	sadd.s32 s2, s17  }
0x8e: {  	[smem:$0x3FC1] =	sst s2  }
0x8f: {  	_ = 	snop  }
0x90: {  	s2 =	sld [smem:$0x3FD0];
	(tm) =	ssettm $0x1  }
0x91: {  	s18 =	sld [smem:$0x3FFB];
	_ =	sdelay $0x3  }
0x92: {  	_ =	strace s18  }
0x93: {  	s3 =	sld [smem:$0x3FFC];
	_ =	sdelay $0x3  }
0x94: {  	_ =	strace s3  }
0x95: {  	s3 =	sld [smem:$0x3FFD];
	_ =	sdelay $0x3  }
0x96: {  	_ =	strace s3  }
0x97: {  	_ =	strace $0x8FFFFFFF  }
0x98: {  	s19 =	sld [smem:$0x3FDB];
	_ =	sdelay $0x1  }
0x99: {  	s4 =	simm.s32 $_scs_section_size  }
0x9a: {  	s5 =	simm.s32 $_size__tile_overlayer_lowered;
	s6 =	simm.s32 $_tile_overlayer_lowered  }
0x9b: {  	s22 =	simm.s32 $0x1BFF;
	s21 =	sshll.u32 s6, $0x1;
	s3 =	sadd.s32 s4, s19  }
0x9c: {  	s7 =	simm.s32 $0x0;
	s20 =	sshll.u32 s5, $0x1;
	s5 =	sadd.s32 s21, s3  }
0x9d: {  	[timem:s7], [sflag:s22] =	dma.local [hbm:s5], s20  }
0x9e: {  	_ =	swait.ge [sflag:s22], s20  }
0x9f: {  	s4 =	ssub.s32 $0x0, s20;
	[sflag:s22] =	ssyncset.done $0x0  }
0xa0: {  	[sflag:s22] =	ssyncadd.s32 s4;
	_ =	sdelay $0x1  }
0xa1: {  	s23 =	simm.s32 $0x1B8B  }
0xa2: {  	_ =	swait.ge [sflag:s23], $0x1  }
0xa3: {  	[sflag:s23] =	ssyncset.done $0x0  }
0xa4: {  	s25 =	simm.s32 $0x1B8E;
	s24 =	sld [smem:$0x3FFE];
	[sflag:s23] =	ssyncadd.s32 $0xFFFFFFFF  }
0xa5: {  	s26 =	simm.s32 $execute0_lowered;
	[smem:$0x3FD2] =	sst s25  }
0xa6: {  	s5 =	sshll.u32 s26, $0x1;
	_ =	strace $0x80000046;
	[dreg:$0x1] =	wrdreg $0xFFFFFFFF  }
0xa7: {  	s28 =	simm.s32 $_size_execute0_lowered;
	s3 =	sadd.s32 s3, s5;
	[dreg:$0x0] =	wrdreg $0x0  }
0xa8: {  	s5 =	sshll.u32 s28, $0x1;
	[dreg:$0x2] =	wrdreg s3  }
0xa9: {  	[dreg:$0x3] =	wrdreg s5  }
0xaa: {  	[dreg:$0x4] =	wrdreg $0xC0  }
0xab: {  	_ =	task [dreg:s7], $0x5FFFF  }
0xac: {  	[dreg:$0x1] =	wrdreg $0xFFFFFFFF  }
0xad: {  	[dreg:$0x0] =	wrdreg $0x60  }
0xae: {  	[dreg:$0x2] =	wrdreg s2  }
0xaf: {  	[dreg:$0x3] =	wrdreg s24  }
0xb0: {  	[dreg:$0x4] =	wrdreg $0x9  }
0xb1: {  	_ =	task.clear_ibuf [dreg:s7], $0x5FFFF;
	_ =	strace $0x90000046  }
0xb2: {  	s29 =	simm.s32 $0x9;
	_ =	strace $0x80000048  }
0xb3: {  	_ =	swait.ge [sflag:s29], $0x1  }
0xb4: {  	[sflag:s29] =	ssyncadd.s32 $0xFFFFFFFF  }
0xb5: {  	_ =	strace $0x90000048  }
0xb6: {  	_ =	sfence  }
0xb7: {  	s30 =	sld [smem:$0x0];
	_ =	sdelay $0x2  }
0xb8: {  	s31 =	sshll.u32 s1, $0xD;
	s1 =	sshrl.u32 s1, $0x2  }
0xb9: {  	s3 =	sand.u32 $0x4000, s31;
	s1 =	sadd.s32 s1, s30  }
0xba: {  	s0 =	sor.u32 s3, s0;
	s1 =	sshll.u32 s1, $0x11  }
0xbb: {  	s0 =	sor.u32 s1, s0  }
0xbc: {  	s0 =	sadd.s32 $0x8F2B, s0  }
0xbd: {  	[sflag:s0] =	ssyncadd.remote.s32 $0x1  }
0xbe: {  	_ =	sfence.sel $0xFFFF  }
0xbf: {  	[dreg:$0x0] =	wrdreg $0xFFFFFFFF;
	(pc) =	sbr.abs _section_cstart, $3  }
0xc0: {  	[dreg:$0x1] =	wrdreg $0xFFFFFFFF  }
0xc1: {  	_ =	task.clear_ibuf [dreg:s7], $0x2FFFF;
	_ =	strace $0x9FFFFFFF  }
0xc2: {  	(tm) =	ssettm $0x7FFFFFFF  }
0xc3: {  	_ =	shalt  }
tec
execute0_lowered:
.L_overlay_start_1:
0x0: {  	(tag) =	ssettag $0x1  }
0x1: {  	s1 =	srdreg.scid  }
0x2: {  	s0 =	stileid.u32;
	s2 =	rddreg [dreg:$0x0]  }
0x3: {  	s5 =	rddreg [dreg:$0x1];
	s9 =	smul.u32 $0xA0, s0  }
0x4: {  	s30 =	simm.s32 $0x0;
	s6 =	sand.u32 $0x1, s1;
	s11 =	smul.u32 $0x50000, s0  }
0x5: {  	s29 =	sshll.u32 s0, $0x1;
	[smem:$0x7FF] =	sst s30;
	s10 =	smul.u32 $0x50, s6  }
0x6: {  	s4 =	sor.u32 s6, s29;
	s8 =	ssub.s32 $0x2, s6;
	s13 =	smul.u32 $0x28000, s6  }
0x7: {  	_ =	strace $0x80000047;
	s7 =	smul.u32 $0x500, s4;
	s12 =	sshrl.u32 s8, $0x1  }
0x8: {  	s4 =	sadd.s32 $0x15600, s5;
	s8 =	ssub.s32 s8, s12;
	s9 =	sadd.s32 s10, s9  }
0x9: {  	s10 =	sadd.s32 s13, s11;
	s11 =	simm.s32 $0xB;
	s7 =	sadd.s32 s7, s5  }
0xa: {  	s13 =	simm.s32 $0x0;
	s5 =	sadd.s32 $0x3C800, s5;
	s31 =	sadd.s32 $0xB600, s7  }
0xb: {  	s8 =	smax.u32 s8, $0x1;
	s7 =	sadd.s32 $0x1600, s7;
	[dreg:$0x3] =	wrdreg s31  }
.LBB2_1:
0xc: {  	s0 =	simm.s32 $0x0  }
0xd: {  	s1 =	rddreg [dreg:$0x3];
	s30 =	simm.s32 $0x2800;
	s15 =	sadd.s32 $0x0, s9  }
0xe: {  	p1 =	por $0x1, $0x1;
	s14 =	sadd.s32 $0xFFFFFFFE, s9;
	p5 =	por $0x1, $0x1  }
0xf: {  	s19 =	sadd.s32 $0xFFFFFFFD, s9;
	p2 =	por $0x0, $0x0;
	s20 =	sadd.s32 $0xFFFFFFFF, s9  }
0x10: {  	[tilespmem:s0], [sflag:$0xB] =	stream.linear.gather [hbm4b:s1+s0], $0x2800, $0x38;
	[tilespmem:$0x19000] =	vst v63  }
0x11: {  	s21 =	sadd.s32 $0xFFFFFFFC, s9;
	p0 =	slt.u32 s15, $0x9C4;
	s17 =	sadd.s32 $0x1, s15  }
0x12: {  	p3 =	slt.s32 s14, $0x9C4;
	p4 =	slt.s32 s20, $0x9C4;
	s31 =	sadd.s32 $0x2, s15  }
0x13: {  	_ =	swait.ge [sflag:s11], $0x2800;
	p0 =	por !p1, !p0;
	p2 =	por !p2, !p3  }
0x14: {  	p3 =	por $0x1, $0x1;
	[sflag:s11] =	ssyncset.done $0x0;
	p0 =	por !p0, !p0  }
0x15: {  	p2 =	por !p2, !p2;
	p6 =	sgt.s32 @!p3 s21, $0x9C3;
	[sflag:s11] =	ssyncadd.s32 $0xFFFFD800  }
0x16: {  	s18 =	simm.s32 @p0 $0x0;
	s16 =	simm.s32 @p0 $0x80;
	s14 =	simm.s32 @p0 $0x5000  }
0x17: {  	[tilespmem:s30], [sflag:$0xB] =	stream.linear.gather [hbm4b:s7+s0], $0x2800, $0x38;
	[tilespmem:$0x19000] =	vst v63  }
0x18: {  	s20 =	simm.s32 @p2 $0x4;
	p6 =	por p6, p3;
	_ =	swait.ge [sflag:s11], $0x2800  }
0x19: {  	p3 =	por $0x0, $0x0;
	s21 =	simm.s32 @p2 $0x2700;
	[sflag:s11] =	ssyncset.done $0x0  }
0x1a: {  	s22 =	simm.s32 @p2 $0x80;
	p3 =	por !p3, !p4;
	[sflag:s11] =	ssyncadd.s32 $0xFFFFD800  }
0x1b: {  	[tilespmem:s14], [sflag:$0x1] =	stream.indirect.gather @p0 [hbm4b:s2+s16], $0x80, s18, s16, $0xb8;
	[tilespmem:$0x19000] =	vst v63  }
0x1c: {  	p4 =	slt.u32 s17, $0x9C4;
	s17 =	simm.s32 @!p6 $0x7;
	_ =	swait.ge @p2 [sflag:s20], $0x4000  }
0x1d: {  	s23 =	sadd.s32 @!p6 $0xFFFFE000, s10;
	p4 =	por !p1, !p4;
	[sflag:s20] =	ssyncset.done @p2 $0x0  }
0x1e: {  	p3 =	por !p3, !p3;
	s18 =	simm.s32 @p2 $0x11000;
	[sflag:s20] =	ssyncadd.s32 @p2 $0xFFFFC000  }
0x1f: {  	[tilespmem:s18], [sflag:$0x9] =	stream.indirect.gather.add.f32 @p2 [hbm:s4], $0x80, s21, s22, $0xb8;
	[tilespmem:$0x19000] =	vst v63  }
0x20: {  	p4 =	por !p4, !p4;
	s20 =	simm.s32 @!p6 $0x9000;
	_ =	swait.ge @!p6 [sflag:s17], $0x4000  }
0x21: {  	s21 =	sand.u32 @!p6 $0x1FFFF800, s23;
	s22 =	simm.s32 @!p6 $0x0;
	[sflag:s17] =	ssyncset.done @!p6 $0x0  }
0x22: {  	s23 =	simm.s32 @!p6 $0xC;
	s21 =	sadd.s32 @!p6 s5, s21;
	[sflag:s17] =	ssyncadd.s32 @!p6 $0xFFFFC000  }
0x23: {  	[hbm4b:s21+s22] =	stream.linear.scatter @!p6 [tilespmem:s20], [sflag:$0xC], $0x4000, $0x38;
	[tilespmem:$0x19000] =	vst v63  }
0x24: {  	s24 =	simm.s32 @p4 $0x80;
	s17 =	simm.s32 @p3 $0x15000;
	_ =	swait.ge @!p6 [sflag:s23], $0x4000  }
0x25: {  	s21 =	simm.s32 @p4 $0x9000;
	s22 =	simm.s32 @p4 $0x80;
	[sflag:s23] =	ssyncset.done @!p6 $0x0  }
0x26: {  	[sflag:s23] =	ssyncadd.s32 @!p6 $0xFFFFC000;
	p6 =	sgt.s32 @!p5 s19, $0x9C3;
	s19 =	simm.s32 @p3 $0x5  }
0x27: {  	[tilespmem:s21], [sflag:$0x2] =	stream.indirect.gather @p4 [hbm4b:s2+s22], $0x80, s24, s22, $0xb8;
	[tilespmem:$0x19000] =	vst v63  }
0x28: {  	s20 =	simm.s32 @p3 $0x80;
	s23 =	simm.s32 @p3 $0x2780;
	_ =	swait.ge @p3 [sflag:s19], $0x4000  }
0x29: {  	p5 =	por p6, p5;
	p6 =	slt.u32 s31, $0x9C4;
	[sflag:s19] =	ssyncset.done @p3 $0x0  }
0x2a: {  	s24 =	sadd.s32 @!p5 $0xFFFFE800, s10;
	[sflag:s19] =	ssyncadd.s32 @p3 $0xFFFFC000;
	s19 =	simm.s32 @!p5 $0x8  }
0x2b: {  	[tilespmem:s17], [sflag:$0xA] =	stream.indirect.gather.add.f32 @p3 [hbm:s4], $0x80, s23, s20, $0xb8;
	[tilespmem:$0x19000] =	vst v63  }
0x2c: {  	p1 =	por !p1, !p6;
	s25 =	simm.s32 @!p5 $0xD000;
	_ =	swait.ge @!p5 [sflag:s19], $0x4000  }
0x2d: {  	s20 =	sand.u32 @!p5 $0x1FFFF800, s24;
	s23 =	simm.s32 @!p5 $0xC;
	[sflag:s19] =	ssyncset.done @!p5 $0x0  }
0x2e: {  	s24 =	simm.s32 @!p5 $0x0;
	s20 =	sadd.s32 @!p5 s5, s20;
	[sflag:s19] =	ssyncadd.s32 @!p5 $0xFFFFC000  }
0x2f: {  	[hbm4b:s20+s24] =	stream.linear.scatter @!p5 [tilespmem:s25], [sflag:$0xC], $0x4000, $0x38;
	[tilespmem:$0x19000] =	vst v63  }
0x30: {  	p1 =	por !p1, !p1;
	_ =	swait.ge @!p5 [sflag:s23], $0x4000  }
0x31: {  	s19 =	simm.s32 @p1 $0xD000;
	s24 =	simm.s32 @p1 $0x100;
	[sflag:s23] =	ssyncset.done @!p5 $0x0  }
0x32: {  	s20 =	simm.s32 @p1 $0x80;
	[sflag:s23] =	ssyncadd.s32 @!p5 $0xFFFFC000;
	s23 =	simm.s32 @p0 $0x1  }
0x33: {  	[tilespmem:s19], [sflag:$0x3] =	stream.indirect.gather @p1 [hbm4b:s2+s20], $0x80, s24, s20, $0xb8;
	[tilespmem:$0x19000] =	vst v63  }
0x34: {  	_ =	swait.ge @p0 [sflag:s23], $0x4000  }
0x35: {  	[sflag:s23] =	ssyncset.done @p0 $0x0  }
0x36: {  	s25 =	simm.s32 @p0 $0x2800;
	[sflag:s23] =	ssyncadd.s32 @p0 $0xFFFFC000;
	s23 =	simm.s32 @p2 $0x9  }
0x37: {  	[tilespmem:s14], [sflag:$0x6] =	stream.indirect.gather.add.f32 @p0 [hbm:s4], $0x80, s25, s16, $0xb8;
	[tilespmem:$0x19000] =	vst v63  }
0x38: {  	s24 =	sadd.s32 @p2 $0xFFFFF000, s10;
	_ =	swait.ge @p2 [sflag:s23], $0x4000  }
0x39: {  	s16 =	sand.u32 @p2 $0x1FFFF800, s24;
	s24 =	simm.s32 @p2 $0xC;
	[sflag:s23] =	ssyncset.done @p2 $0x0  }
0x3a: {  	s25 =	simm.s32 @p2 $0x0;
	s16 =	sadd.s32 @p2 s5, s16;
	[sflag:s23] =	ssyncadd.s32 @p2 $0xFFFFC000  }
0x3b: {  	[hbm4b:s16+s25] =	stream.linear.scatter @p2 [tilespmem:s18], [sflag:$0xC], $0x4000, $0x38;
	[tilespmem:$0x19000] =	vst v63  }
0x3c: {  	p5 =	por $0x0, $0x0;
	s16 =	sadd.s32 $0x3, s15;
	_ =	swait.ge @p2 [sflag:s24], $0x4000  }
0x3d: {  	p6 =	sgt.u32 @!p5 s16, $0x9C3;
	[sflag:s24] =	ssyncset.done @p2 $0x0  }
0x3e: {  	[sflag:s24] =	ssyncadd.s32 @p2 $0xFFFFC000;
	p2 =	por p6, p5  }
0x3f: {  	s16 =	simm.s32 @!p2 $0x80;
	s18 =	simm.s32 @!p2 $0x11000;
	s23 =	simm.s32 @!p2 $0x180  }
0x40: {  	[tilespmem:s18], [sflag:$0x4] =	stream.indirect.gather @!p2 [hbm4b:s2+s16], $0x80, s23, s16, $0xb8;
	[tilespmem:$0x19000] =	vst v63  }
0x41: {  	s28 =	simm.s32 @p1 $0x3;
	s15 =	sadd.s32 $0x4, s15;
	s16 =	simm.s32 @p4 $0x2  }
0x42: {  	s18 =	sadd.s32 @p3 $0xFFFFF800, s10;
	s23 =	simm.s32 @p4 $0x2880;
	_ =	swait.ge @p4 [sflag:s16], $0x4000  }
0x43: {  	p2 =	sgt.u32 @!p5 s15, $0x9C3;
	s18 =	sand.u32 @p3 $0x1FFFF800, s18;
	[sflag:s16] =	ssyncset.done @p4 $0x0  }
0x44: {  	p2 =	por p2, p5;
	[sflag:s16] =	ssyncadd.s32 @p4 $0xFFFFC000;
	s16 =	simm.s32 @p3 $0xA  }
0x45: {  	[tilespmem:s21], [sflag:$0x7] =	stream.indirect.gather.add.f32 @p4 [hbm:s4], $0x80, s23, s22, $0xb8;
	[tilespmem:$0x19000] =	vst v63  }
0x46: {  	p5 =	por p0, p0;
	s18 =	sadd.s32 @p3 s5, s18;
	_ =	swait.ge @p3 [sflag:s16], $0x4000  }
0x47: {  	s15 =	simm.s32 @!p2 $0x200;
	s25 =	simm.s32 @p5 $0xB;
	[sflag:s16] =	ssyncset.done @p3 $0x0  }
0x48: {  	s21 =	simm.s32 @p3 $0xC;
	[sflag:s16] =	ssyncadd.s32 @p3 $0xFFFFC000;
	s16 =	simm.s32 @p3 $0x0  }
0x49: {  	[hbm4b:s18+s16] =	stream.linear.scatter @p3 [tilespmem:s17], [sflag:$0xC], $0x4000, $0x38;
	[tilespmem:$0x19000] =	vst v63  }
0x4a: {  	s24 =	simm.s32 @p5 $0x0;
	s26 =	simm.s32 @p5 $0x6;
	_ =	swait.ge @p3 [sflag:s21], $0x4000  }
0x4b: {  	s22 =	simm.s32 @p1 $0x2900;
	s23 =	sadd.s32 @p5 s10, s5;
	[sflag:s21] =	ssyncset.done @p3 $0x0  }
0x4c: {  	s16 =	simm.s32 @!p2 $0x15000;
	s17 =	simm.s32 @!p2 $0x80;
	[sflag:s21] =	ssyncadd.s32 @p3 $0xFFFFC000  }
0x4d: {  	[tilespmem:s16], [sflag:$0x5] =	stream.indirect.gather @!p2 [hbm4b:s2+s17], $0x80, s15, s17, $0xb8;
	[tilespmem:$0x19000] =	vst v63  }
0x4e: {  	s15 =	simm.s32 $0x5;
	s16 =	simm.s32 $0xA00;
	s17 =	sadd.s32 $0x2800, s10  }
.LBB2_2:
0x4f: {  	s29 =	sadd.s32 $0xFFFFFFFE, s15;
	s30 =	sadd.s32 $0xFFFFFFFC, s15;
	_ =	swait.ge @p1 [sflag:s28], $0x4000  }
0x50: {  	s21 =	smov.u32 s15;
	p3 =	sne.s32 s15, $0x50;
	s1 =	sadd.s32 $0xFFFFFFFF, s15  }
0x51: {  	s0 =	sadd.s32 $0xFFFFFFFD, s15;
	s31 =	sadd.s32 s9, s29;
	[sflag:s28] =	ssyncset.done @p1 $0x0  }
0x52: {  	p0 =	sgt.u32 s0, $0x4F;
	p2 =	slt.u32 s29, $0x50;
	[sflag:s28] =	ssyncadd.s32 @p1 $0xFFFFC000  }
0x53: {  	[tilespmem:s19], [sflag:$0x8] =	stream.indirect.gather.add.f32 @p1 [hbm:s4], $0x80, s22, s20, $0xb8;
	[tilespmem:$0x19000] =	vst v63  }
0x54: {  	s3 =	simm.s32 @!p0 $0x0;
	p4 =	slt.s32 s31, $0x9C4;
	s22 =	sadd.s32 s15, s9  }
0x55: {  	s3 =	simm.s32 @p0 $0x1;
	s19 =	sadd.s32 s9, s0;
	s0 =	simm.s32 @!p3 $0x0  }
0x56: {  	s20 =	sadd.s32 s9, s30;
	[smem:$0x7F9] =	sst s3;
	p1 =	slt.u32 s22, $0x9C4  }
0x57: {  	s0 =	simm.s32 @p3 $0x1;
	s12 =	sadd.s32 $0x1, s22;
	s6 =	sadd.s32 $0x2, s22  }
0x58: {  	_ =	swait.ge @p5 [sflag:s26], $0x4000;
	p0 =	por !p3, !p1;
	p1 =	por !p2, !p4  }
0x59: {  	[sflag:s26] =	ssyncset.done @p5 $0x0;
	[smem:$0x7FA] =	sst s0;
	p6 =	por !p0, !p0  }
0x5a: {  	p2 =	por !p1, !p1;
	p1 =	slt.u32 s1, $0x50;
	[sflag:s26] =	ssyncadd.s32 @p5 $0xFFFFC000  }
0x5b: {  	[hbm4b:s23+s24] =	stream.linear.scatter @p5 [tilespmem:s14], [sflag:$0xB], $0x4000, $0x38;
	[tilespmem:$0x19000] =	vst v63  }
0x5c: {  	s28 =	sshra.s32 @p6 s16, $0x2;
	s3 =	simm.s32 @!p6 $0x0;
	s23 =	simm.s32 @p6 $0x80  }
0x5d: {  	s14 =	simm.s32 @p6 $0x5000;
	s3 =	simm.s32 @p6 $0x1;
	_ =	swait.ge @p5 [sflag:s25], $0x4000  }
0x5e: {  	s24 =	sshra.s32 @p2 s16, $0x2;
	[smem:$0x7FB] =	sst s3;
	s3 =	sadd.s32 s9, s1  }
0x5f: {  	[sflag:s25] =	ssyncset.done @p5 $0x0;
	s1 =	sadd.s32 @p2 $0x2700, s24;
	p0 =	slt.s32 s3, $0x9C4  }
0x60: {  	s24 =	simm.s32 @p2 $0x80;
	[sflag:s25] =	ssyncadd.s32 @p5 $0xFFFFC000;
	s3 =	simm.s32 @!p0 $0x0  }
0x61: {  	[tilespmem:s14], [sflag:$0x1] =	stream.indirect.gather @p6 [hbm4b:s2+s23], $0x80, s28, s23, $0xb8;
	[tilespmem:$0x19000] =	vst v63  }
0x62: {  	s25 =	simm.s32 @p2 $0x11000;
	s3 =	simm.s32 @p0 $0x1;
	p0 =	sgt.u32 s30, $0x4F  }
0x63: {  	[smem:$0x7F8] =	sst s3;
	p4 =	sgt.s32 @!p0 s20, $0x9C3;
	s20 =	simm.s32 @p2 $0x4  }
0x64: {  	p5 =	slt.u32 s12, $0x9C4;
	_ =	swait.ge @p2 [sflag:s20], $0x4000;
	p0 =	por p4, p0  }
0x65: {  	p4 =	por !p3, !p5;
	[sflag:s20] =	ssyncset.done @p2 $0x0;
	s0 =	simm.s32 @!p0 $0x7  }
0x66: {  	s26 =	sadd.s32 @!p0 $0xFFFFE000, s17;
	p4 =	por !p4, !p4;
	s12 =	sld [smem:$0x7F8]  }
0x67: {  	[sflag:s20] =	ssyncadd.s32 @p2 $0xFFFFC000;
	s20 =	simm.s32 @!p0 $0x9000;
	s26 =	sand.u32 @!p0 $0x1FFFF800, s26  }
0x68: {  	[tilespmem:s25], [sflag:$0x9] =	stream.indirect.gather.add.f32 @p2 [hbm:s4], $0x80, s1, s24, $0xb8;
	[tilespmem:$0x19000] =	vst v63  }
0x69: {  	s30 =	sshra.s32 @p4 s16, $0x2;
	s29 =	simm.s32 @p4 $0x80;
	_ =	swait.ge @!p0 [sflag:s0], $0x4000  }
0x6a: {  	s31 =	sadd.s32 @!p0 s5, s26;
	s1 =	simm.s32 @!p0 $0xC;
	[sflag:s0] =	ssyncset.done @!p0 $0x0  }
0x6b: {  	p6 =	seq.s32 s12, $0x1;
	s12 =	simm.s32 @!p0 $0x0;
	[sflag:s0] =	ssyncadd.s32 @!p0 $0xFFFFC000  }
0x6c: {  	[hbm4b:s31+s12] =	stream.linear.scatter @!p0 [tilespmem:s20], [sflag:$0xC], $0x4000, $0x38;
	[tilespmem:$0x19000] =	vst v63  }
0x6d: {  	s3 =	sadd.s32 @p4 $0x80, s30;
	s26 =	simm.s32 @p4 $0x9000;
	_ =	swait.ge @!p0 [sflag:s1], $0x4000  }
0x6e: {  	p1 =	por !p1, !p6;
	p6 =	slt.u32 s6, $0x9C4;
	[sflag:s1] =	ssyncset.done @!p0 $0x0  }
0x6f: {  	p3 =	por !p1, !p1;
	s6 =	sld [smem:$0x7F9];
	[sflag:s1] =	ssyncadd.s32 @!p0 $0xFFFFC000  }
0x70: {  	[tilespmem:s26], [sflag:$0x2] =	stream.indirect.gather @p4 [hbm4b:s2+s29], $0x80, s3, s29, $0xb8;
	[tilespmem:$0x19000] =	vst v63  }
0x71: {  	s24 =	simm.s32 @p3 $0x15000;
	s0 =	sshra.s32 @p3 s16, $0x2;
	s3 =	simm.s32 @!p4 $0x0  }
0x72: {  	s12 =	simm.s32 @p3 $0x80;
	p5 =	seq.s32 s6, $0x1;
	s3 =	simm.s32 @p4 $0x1  }
0x73: {  	s1 =	simm.s32 @p3 $0x5;
	p1 =	sgt.s32 @!p5 s19, $0x9C3;
	[smem:$0x7FC] =	sst s3  }
0x74: {  	s0 =	sadd.s32 @p3 $0x2780, s0;
	p5 =	por p1, p5;
	_ =	swait.ge @p3 [sflag:s1], $0x4000  }
0x75: {  	p1 =	por p4, p4;
	s3 =	sadd.s32 @!p5 $0xFFFFE800, s17;
	[sflag:s1] =	ssyncset.done @p3 $0x0  }
0x76: {  	s20 =	sld [smem:$0x7FA];
	[sflag:s1] =	ssyncadd.s32 @p3 $0xFFFFC000;
	s1 =	simm.s32 @!p5 $0x8  }
0x77: {  	[tilespmem:s24], [sflag:$0xA] =	stream.indirect.gather.add.f32 @p3 [hbm:s4], $0x80, s0, s12, $0xb8;
	[tilespmem:$0x19000] =	vst v63  }
0x78: {  	s19 =	simm.s32 @!p5 $0x0;
	s3 =	sand.u32 @!p5 $0x1FFFF800, s3;
	_ =	swait.ge @!p5 [sflag:s1], $0x4000  }
0x79: {  	s3 =	sadd.s32 @!p5 s5, s3;
	s0 =	simm.s32 @!p5 $0xC;
	[sflag:s1] =	ssyncset.done @!p5 $0x0  }
0x7a: {  	p4 =	seq.s32 s20, $0x1;
	s20 =	simm.s32 @!p5 $0xD000;
	[sflag:s1] =	ssyncadd.s32 @!p5 $0xFFFFC000  }
0x7b: {  	[hbm4b:s3+s19] =	stream.linear.scatter @!p5 [tilespmem:s20], [sflag:$0xC], $0x4000, $0x38;
	[tilespmem:$0x19000] =	vst v63  }
0x7c: {  	s15 =	sadd.s32 $0x5, s15;
	p0 =	por !p4, !p6;
	_ =	swait.ge @!p5 [sflag:s0], $0x4000  }
0x7d: {  	s12 =	sadd.s32 @p3 $0xFFFFF800, s17;
	p4 =	por !p0, !p0;
	[sflag:s0] =	ssyncset.done @!p5 $0x0  }
0x7e: {  	s1 =	sadd.s32 @p2 $0xFFFFF000, s17;
	s3 =	sshra.s32 @p4 s16, $0x2;
	[sflag:s0] =	ssyncadd.s32 @!p5 $0xFFFFC000  }
0x7f: {  	s0 =	sand.u32 @p2 $0x1FFFF800, s1;
	s1 =	sadd.s32 @p1 $0x2880, s30;
	s30 =	sld [smem:$0x7FB]  }
0x80: {  	s19 =	simm.s32 @p4 $0xD000;
	s20 =	simm.s32 @p4 $0x80;
	s31 =	sadd.s32 @p4 $0x100, s3  }
0x81: {  	[tilespmem:s19], [sflag:$0x3] =	stream.indirect.gather @p4 [hbm4b:s2+s20], $0x80, s31, s20, $0xb8;
	[tilespmem:$0x19000] =	vst v63  }
0x82: {  	s12 =	sand.u32 @p3 $0x1FFFF800, s12;
	p0 =	sne.s32 s15, $0x55;
	p6 =	seq.s32 s30, $0x1  }
0x83: {  	s30 =	sadd.s32 @p6 $0x2800, s28;
	s28 =	sadd.s32 @p3 s5, s12;
	s12 =	simm.s32 @!p0 $0x0  }
0x84: {  	s12 =	simm.s32 @p0 $0x1  }
0x85: {  	s6 =	simm.s32 @p6 $0x1;
	[smem:$0x7FD] =	sst s12  }
0x86: {  	_ =	swait.ge @p6 [sflag:s6], $0x4000  }
0x87: {  	p0 =	seq.s32 s21, $0x50;
	s21 =	simm.s32 @p2 $0x9;
	[sflag:s6] =	ssyncset.done @p6 $0x0  }
0x88: {  	s12 =	sadd.s32 $0x4, s22;
	s22 =	sadd.s32 $0x3, s22;
	[sflag:s6] =	ssyncadd.s32 @p6 $0xFFFFC000  }
0x89: {  	[tilespmem:s14], [sflag:$0x6] =	stream.indirect.gather.add.f32 @p6 [hbm:s4], $0x80, s30, s23, $0xb8;
	[tilespmem:$0x19000] =	vst v63  }
0x8a: {  	s0 =	sadd.s32 @p2 s5, s0;
	p5 =	sgt.u32 @!p0 s22, $0x9C3;
	_ =	swait.ge @p2 [sflag:s21], $0x4000  }
0x8b: {  	s22 =	sadd.s32 @p4 $0x2900, s3;
	s3 =	simm.s32 @p2 $0xC;
	[sflag:s21] =	ssyncset.done @p2 $0x0  }
0x8c: {  	s6 =	simm.s32 @p2 $0x0;
	p6 =	por p5, p0;
	[sflag:s21] =	ssyncadd.s32 @p2 $0xFFFFC000  }
0x8d: {  	[hbm4b:s0+s6] =	stream.linear.scatter @p2 [tilespmem:s25], [sflag:$0xC], $0x4000, $0x38;
	[tilespmem:$0x19000] =	vst v63  }
0x8e: {  	s23 =	sshra.s32 @!p6 s16, $0x2;
	_ =	swait.ge @p2 [sflag:s3], $0x4000  }
0x8f: {  	s30 =	simm.s32 @!p6 $0x11000;
	[sflag:s3] =	ssyncset.done @p2 $0x0;
	s25 =	sld [smem:$0x7FC]  }
0x90: {  	s21 =	simm.s32 @!p6 $0x80;
	s0 =	sadd.s32 @!p6 $0x180, s23;
	[sflag:s3] =	ssyncadd.s32 @p2 $0xFFFFC000  }
0x91: {  	[tilespmem:s30], [sflag:$0x4] =	stream.indirect.gather @!p6 [hbm4b:s2+s21], $0x80, s0, s21, $0xb8;
	[tilespmem:$0x19000] =	vst v63  }
0x92: {  	p2 =	seq.s32 s25, $0x1  }
0x93: {  	s3 =	simm.s32 @p2 $0x2  }
0x94: {  	s23 =	sld [smem:$0x7FB];
	_ =	swait.ge @p2 [sflag:s3], $0x4000  }
0x95: {  	[sflag:s3] =	ssyncset.done @p2 $0x0  }
0x96: {  	[sflag:s3] =	ssyncadd.s32 @p2 $0xFFFFC000;
	s3 =	simm.s32 @p3 $0xA  }
0x97: {  	[tilespmem:s26], [sflag:$0x7] =	stream.indirect.gather.add.f32 @p2 [hbm:s4], $0x80, s1, s29, $0xb8;
	[tilespmem:$0x19000] =	vst v63  }
0x98: {  	p5 =	sgt.u32 @!p0 s12, $0x9C3;
	_ =	swait.ge @p3 [sflag:s3], $0x4000  }
0x99: {  	p0 =	por p5, p0;
	[sflag:s3] =	ssyncset.done @p3 $0x0  }
0x9a: {  	s1 =	simm.s32 @p3 $0x0;
	[sflag:s3] =	ssyncadd.s32 @p3 $0xFFFFC000;
	s3 =	simm.s32 @p3 $0xC  }
0x9b: {  	[hbm4b:s28+s1] =	stream.linear.scatter @p3 [tilespmem:s24], [sflag:$0xC], $0x4000, $0x38;
	[tilespmem:$0x19000] =	vst v63  }
0x9c: {  	s6 =	sshra.s32 @!p0 s16, $0x2;
	_ =	swait.ge @p3 [sflag:s3], $0x4000  }
0x9d: {  	s0 =	sadd.s32 @!p0 $0x200, s6;
	[sflag:s3] =	ssyncset.done @p3 $0x0;
	s31 =	sld [smem:$0x7FD]  }
0x9e: {  	s1 =	simm.s32 @!p0 $0x15000;
	[sflag:s3] =	ssyncadd.s32 @p3 $0xFFFFC000;
	s3 =	simm.s32 @!p0 $0x80  }
0x9f: {  	[tilespmem:s1], [sflag:$0x5] =	stream.indirect.gather @!p0 [hbm4b:s2+s3], $0x80, s0, s3, $0xb8;
	[tilespmem:$0x19000] =	vst v63  }
0xa0: {  	p0 =	seq.s32 s31, $0x1  }
.Ltmp0:
0xa1: {  	_ = 	snop;
	(pc) =	sbr.rel @p0 .LBB2_2-.Ltmp0, $4  }
0xa2: {  	s18 =	smov.u32 s17;
	p1 =	seq.s32 s23, $0x1  }
0xa3: {  	s17 =	sadd.s32 $0x2800, s17;
	s16 =	sadd.s32 $0xA00, s16;
	p5 =	por p1, p1  }
0xa4: {  	p1 =	por p4, p4;
	s25 =	simm.s32 @p5 $0xB;
	s23 =	sadd.s32 @p5 s18, s5  }
0xa5: {  	s26 =	simm.s32 @p5 $0x6;
	s24 =	simm.s32 @p5 $0x0;
	s28 =	simm.s32 @p4 $0x3  }
0xa6: {  	_ =	swait.ge @p1 [sflag:s28], $0x4000  }
0xa7: {  	[sflag:s28] =	ssyncset.done @p1 $0x0  }
0xa8: {  	[sflag:s28] =	ssyncadd.s32 @p1 $0xFFFFC000  }
0xa9: {  	[tilespmem:s19], [sflag:$0x8] =	stream.indirect.gather.add.f32 @p1 [hbm:s4], $0x80, s22, s20, $0xb8;
	[tilespmem:$0x19000] =	vst v63  }
0xaa: {  	s13 =	sadd.s32 $0x1, s13;
	_ =	swait.ge @p5 [sflag:s26], $0x4000  }
0xab: {  	p0 =	sne.s32 s13, s8;
	[sflag:s26] =	ssyncset.done @p5 $0x0  }
.Ltmp1:
0xac: {  	[sflag:s26] =	ssyncadd.s32 @p5 $0xFFFFC000;
	(pc) =	sbr.rel @p0 .LBB2_1-.Ltmp1, $4  }
0xad: {  	[hbm4b:s23+s24] =	stream.linear.scatter @p5 [tilespmem:s14], [sflag:$0xB], $0x4000, $0x38;
	[tilespmem:$0x19000] =	vst v63  }
0xae: {  	_ =	swait.ge @p5 [sflag:s25], $0x4000  }
0xaf: {  	[sflag:s25] =	ssyncset.done @p5 $0x0  }
0xb0: {  	[sflag:s25] =	ssyncadd.s32 @p5 $0xFFFFC000  }
0xb1: {  	_ =	sfence.sel $0x180000  }
0xb2: {  	[bflag:$0x0] =	sbarrier.arrive $0xFFFF  }
0xb3: {  	_ =	strace $0x90000047  }
0xb4: {  	s0 =	stileid.u32;
	[bflag:$0x2] =	sbarrier.arrive $0xFFFF  }
0xb5: {  	p0 =	sne.s32 s0, $0x0;
	s0 =	rddreg [dreg:$0x2]  }
0xb6: {  	s0 =	sadd.s32 @!p0 $0x100000, s0  }
0xb7: {  	[sflag:s0] =	ssyncadd.tile.s32 @!p0 $0x1;
	_ =	shalt  }
.Lfunc_end2:
_tile_overlayer_lowered:
.L_overlay_start_2:
0xb8: {  	(tag) =	ssettag $0x2  }
0xb9: {  	s0 =	rddreg [dreg:$0x0];
	s2 =	stileid.u32  }
0xba: {  	s1 =	rddreg [dreg:$0x1];
	p0 =	sne.s32 s2, $0x0  }
0xbb: {  	s3 =	rddreg [dreg:$0x2];
	[bflag:$0x3] =	sbarrier.arrive $0xFFFF;
	s2 =	simm.s32 @!p0 $0x1C0B  }
0xbc: {  	[timem:s3], [sflag:s2] =	dma.local @!p0 [hbm:s0], s1  }
0xbd: {  	s0 =	simm.s32 @!p0 $0xB  }
0xbe: {  	_ =	swait.ge @!p0 [sflag:s0], s1  }
0xbf: {  	s1 =	ssub.s32 @!p0 $0x0, s1;
	[sflag:s0] =	ssyncset.done @!p0 $0x0  }
0xc0: {  	[sflag:s0] =	ssyncadd.s32 @!p0 s1  }
0xc1: {  	[bflag:$0x3] =	sbarrier.arrive $0xFFFF  }
0xc2: {  	_ =	shalt  }

</sc_bundles>
